<compile_context>
chip_gen: v7x
topology: tpu7x:2x2x1
jax: 0.10.2.dev20260603
libtpu: 0.0.44.dev20260713+nightly
codegen_flags: <defaults>
</compile_context>

<pallas_src>
import functools

import jax
import jax.numpy as jnp
import numpy as np
from jax import lax
from jax.experimental import pallas as pl
from jax.experimental.pallas import tpu as pltpu
from jax.experimental.pallas import tpu_sc as plsc

Q = 1024
N = 100000
D = 16
L = 16
NC, NS = 2, 16
NW = NC * NS
QPW = Q // NW
NPAD = 100352
SEG = 128
NSEG = NPAD // SEG
GPAD = 896
NGV = GPAD // L
NBLK = 512
INF = np.float32(3.0e38)


def _tc_d2_body(xq_ref, xt_ref, o_ref):
    q = xq_ref[...]
    t = xt_ref[...]
    dot = lax.dot_general(q, t, (((1,), (1,)), ((), ())),
                          preferred_element_type=jnp.float32)
    q2 = jnp.sum(q * q, axis=1, keepdims=True)
    t2 = jnp.sum(t * t, axis=1)[None, :]
    o_ref[...] = q2 - 2.0 * dot + t2


def _compute_d2(X_test, Xp):
    grid = (NPAD // NBLK,)
    return pl.pallas_call(
        _tc_d2_body,
        grid=grid,
        in_specs=[
            pl.BlockSpec((Q, D), lambda i: (0, 0)),
            pl.BlockSpec((NBLK, D), lambda i: (i, 0)),
        ],
        out_specs=pl.BlockSpec((Q, NBLK), lambda i: (0, i)),
        out_shape=jax.ShapeDtypeStruct((Q, NPAD), jnp.float32),
    )(X_test, Xp)


GQR = 32


def _tc_gmin_body(d3_ref, m_ref):
    m_ref[...] = jnp.min(d3_ref[...], axis=2)


def _compute_gmin(d2):
    d3 = d2.reshape(Q, NSEG, SEG)
    grid = (Q // GQR,)
    gm = pl.pallas_call(
        _tc_gmin_body,
        grid=grid,
        in_specs=[pl.BlockSpec((GQR, NSEG, SEG), lambda i: (i, 0, 0))],
        out_specs=pl.BlockSpec((GQR, NSEG), lambda i: (i, 0)),
        out_shape=jax.ShapeDtypeStruct((Q, NSEG), jnp.float32),
    )(d3)
    return jnp.pad(gm, ((0, 0), (0, GPAD - NSEG)), constant_values=INF)


def _merge_sorted(ad, av, bd, bv):
    bdr = lax.rev(bd, (0,))
    bvr = lax.rev(bv, (0,))
    take = ad <= bdr
    nd = jnp.where(take, ad, bdr)
    nv = jnp.where(take, av, bvr)
    sd, sv = plsc.sort_key_val(nd, nv)
    return sd, sv


def _sc_topk_vote(d2, gmin, yp):
    mesh = plsc.VectorSubcoreMesh(core_axis_name="c", subcore_axis_name="s",
                                  num_cores=NC, num_subcores=NS)

    @functools.partial(
        pl.kernel,
        out_type=jax.ShapeDtypeStruct((Q,), jnp.int32),
        mesh=mesh,
        scratch_types=[
            pltpu.VMEM((2 * GPAD,), jnp.float32),
            pltpu.VMEM((L * SEG,), jnp.float32),
            pltpu.VMEM((NPAD,), jnp.int32),
            pltpu.VMEM((L,), jnp.float32),
            pltpu.VMEM((L,), jnp.int32),
            pltpu.SMEM((QPW,), jnp.int32),
            pltpu.SMEM((L,), jnp.int32),
            pltpu.SMEM((2,), jnp.float32),
            pltpu.VMEM((QPW,), jnp.int32),
            pltpu.SemaphoreType.DMA((2,)),
            pltpu.SemaphoreType.DMA,
        ],
        compiler_params=pltpu.CompilerParams(needs_layout_passes=False),
    )
    def kern(d2_hbm, gmin_hbm, yp_hbm, y_hbm, gbuf, segbuf, yp_v,
             topd_v, topgi_v, ybuf_s, ssid, sthr, ybuf, gsems, ssem):
        wid = lax.axis_index("s") * NC + lax.axis_index("c")
        q0 = wid * QPW
        iota = lax.iota(jnp.int32, L)
        inf_vec = jnp.full((L,), INF, jnp.float32)

        pltpu.sync_copy(yp_hbm, yp_v)

        def g_dma(qi, slot):
            return pltpu.make_async_copy(
                gmin_hbm.at[q0 + qi],
                gbuf.at[pl.ds(slot * GPAD, GPAD)],
                gsems.at[slot])

        g_dma(0, 0).start()

        def s_dma(qg, sid, j):
            return pltpu.make_async_copy(
                d2_hbm.at[qg, pl.ds(sid * SEG, SEG)],
                segbuf.at[pl.ds(j * SEG, SEG)],
                ssem)

        def qbody(qi, _c):
            parity = lax.rem(qi, 2)
            qg = q0 + qi

            g_dma(qi, parity).wait()

            @pl.when(qi + 1 < QPW)
            def _():
                g_dma(qi + 1, 1 - parity).start()

            topd_v[...] = inf_vec
            topgi_v[...] = jnp.zeros((L,), jnp.int32)
            sthr[1] = jnp.float32(INF)
            gbase = parity * GPAD

            def abody(v, _a):
                gv = gbuf[pl.ds(gbase + v * L, L)]
                gm = jnp.min(gv)

                @pl.when(gm < sthr[1])
                def _():
                    sm, sid = plsc.sort_key_val(gv, iota + v * L)
                    nd, ni = _merge_sorted(topd_v[...], topgi_v[...], sm, sid)
                    topd_v[...] = nd
                    topgi_v[...] = ni
                    sthr[1] = nd[L - 1]

                return 0

            lax.fori_loop(0, NGV, abody, 0)

            sidv = topgi_v[...]
            for j in range(L):
                ssid[j] = sidv[j]

            def fire(j, _f):
                s_dma(qg, ssid[j], j).start()
                return 0

            lax.fori_loop(0, L, fire, 0)

            topd_v[...] = inf_vec
            topgi_v[...] = jnp.zeros((L,), jnp.int32)
            sthr[0] = jnp.float32(INF)

            def drain(j, _d):
                sid = ssid[j]
                s_dma(qg, sid, j).wait()
                for sg in range(SEG // L):
                    cv = segbuf[pl.ds(j * SEG + sg * L, L)]
                    cm = jnp.min(cv)

                    @pl.when(cm < sthr[0])
                    def _(sg=sg):
                        gidx = iota + (sid * SEG + sg * L)
                        sd, sgi = plsc.sort_key_val(cv, gidx)
                        nd, ngi = _merge_sorted(
                            topd_v[...], topgi_v[...], sd, sgi)
                        topd_v[...] = nd
                        topgi_v[...] = ngi
                        sthr[0] = nd[L - 1]

                return 0

            lax.fori_loop(0, L, drain, 0)

            labs = plsc.load_gather(yp_v, [topgi_v[...]])
            cntv = jnp.zeros((L,), jnp.int32)
            for j in range(L):
                cntv = cntv + jnp.where(labs == labs[j], 1, 0)
            score = cntv * 128 + (127 - labs)
            best = jnp.max(score)
            win = 127 - lax.rem(best, 128)
            ybuf_s[qi] = win

            return 0

        lax.fori_loop(0, QPW, qbody, 0)
        for v in range(QPW // L):
            acc = jnp.zeros((L,), jnp.int32)
            for i in range(L):
                acc = jnp.where(iota == i, ybuf_s[v * L + i], acc)
            ybuf[pl.ds(v * L, L)] = acc
        pltpu.sync_copy(ybuf, y_hbm.at[pl.ds(q0, QPW)])

    return kern(d2, gmin, yp)


def kernel(X_test, X_train, y_train):
    Xp = jnp.concatenate(
        [X_train, jnp.full((NPAD - N, D), 1.0e4, jnp.float32)], axis=0)
    yp = jnp.concatenate(
        [y_train, jnp.zeros((NPAD - N,), jnp.int32)], axis=0)
    d2 = _compute_d2(X_test, Xp)
    gmin = _compute_gmin(d2)
    return _sc_topk_vote(d2, gmin, yp)

# --- scband reference (transcript-rebuilt; emitter-appended) ---
"""Pipeline reference for scband-knn-68977174774512 (READ-ONLY COPY).

The authoritative reference and input builder live on the scoring server;
editing this copy changes nothing except your own understanding.
"""

import jax, jax.numpy as jnp
import numpy as np

K_NEIGHBORS = 16
NUM_CLASSES = 100


def setup_inputs(seed: int = 0) -> dict:
    key = jax.random.key(seed)
    k1, k2, k3 = jax.random.split(key, 3)
    X_test = jax.random.normal(k1, (1024, 16), dtype=jnp.float32)
    X_train = jax.random.normal(k2, (100000, 16), dtype=jnp.float32)
    y_train = jax.random.randint(k3, (100000,), 0, NUM_CLASSES, dtype=jnp.int32)
    return {"X_test": X_test, "X_train": X_train, "y_train": y_train}


def reference(X_test, X_train, y_train):
    # Pairwise euclidean distances (vectorized form of the per-sample loop):
    # dist[i, j] = || X_test[i] - X_train[j] ||_2
    q2 = jnp.sum(X_test * X_test, axis=1, keepdims=True)          # [Q, 1]
    t2 = jnp.sum(X_train * X_train, axis=1)[None, :]               # [1, N]
    d2 = q2 - 2.0 * (X_test @ X_train.T) + t2                      # [Q, N]
    dist = jnp.sqrt(jnp.maximum(d2, 0.0))
    # argsort distances and take the k nearest (matches torch.argsort()[:k])
    idx = jnp.argsort(dist, axis=1)[:, :K_NEIGHBORS]               # [Q, k]
    nn_labels = jnp.take(y_train, idx, axis=0)                     # [Q, k]
    # _vote: bincount over neighbor labels then argmax (ties -> lowest class id,
    # same as torch.argmax over torch.bincount)
    counts = jax.nn.one_hot(nn_labels, NUM_CLASSES, dtype=jnp.float32).sum(axis=1)  # [Q, C]
    y_pred = jnp.argmax(counts, axis=1).astype(jnp.int32)          # [Q]
    return y_pred

if __name__ == "__main__":
    import jax
    _d = setup_inputs()
    print(jax.jit(kernel)(*tuple(_d.values())))

</pallas_src>

<mosaic_0001>
#map = affine_map<(d0, d1) -> (0, 0)>
#map1 = affine_map<(d0, d1) -> (0)>
module attributes {stable_mosaic.version = 14 : i64} {
  func.func @kern(%arg0: i32, %arg1: i32, %arg2: memref<1024x100352xf32, #tpu.memory_space<hbm>>, %arg3: memref<1024x896xf32, #tpu.memory_space<hbm>>, %arg4: memref<100352xi32, #tpu.memory_space<hbm>>, %arg5: memref<1024xi32, #tpu.memory_space<hbm>>, %arg6: memref<1792xf32, #tpu.memory_space<vmem>>, %arg7: memref<2048xf32, #tpu.memory_space<vmem>>, %arg8: memref<100352xi32, #tpu.memory_space<vmem>>, %arg9: memref<16xf32, #tpu.memory_space<vmem>>, %arg10: memref<16xi32, #tpu.memory_space<vmem>>, %arg11: memref<32xi32, #tpu.memory_space<smem>>, %arg12: memref<16xi32, #tpu.memory_space<smem>>, %arg13: memref<2xf32, #tpu.memory_space<smem>>, %arg14: memref<32xi32, #tpu.memory_space<vmem>>, %arg15: memref<2x!tpu.dma_semaphore, #tpu.memory_space<semaphore_mem>>, %arg16: memref<!tpu.dma_semaphore, #tpu.memory_space<semaphore_mem>>) attributes {dimension_semantics = [#tpu.dimension_semantics<core_parallel>, #tpu.dimension_semantics<subcore_parallel>], iteration_bounds = array<i64: 2, 16>, scalar_prefetch = 0 : i64, scratch_operands = 11 : i64, tpu.core_type = #tpu.core_type<sc_vector_subcore>, window_params = [{transform_indices = #map}, {transform_indices = #map}, {transform_indices = #map1}, {transform_indices = #map1}]} {
    %mul3A = arith.constant 2 : i32
    %mul3A_0 = arith.muli %arg1, %mul3A : i32
    %add3A = arith.addi %mul3A_0, %arg0 : i32
    %mul3A_1 = arith.constant 32 : i32
    %mul3A_2 = arith.muli %add3A, %mul3A_1 : i32
    %iota3A = tpu.iota {dimensions = array<i32: 0>} : vector<16xi32>
    %broadcast_in_dim3A = arith.constant 3.000000e+38 : f32
    %broadcast_in_dim3A_3 = vector.broadcast %broadcast_in_dim3A : f32 to vector<16xf32>
    "tpu.region"() ({
      %run_scoped3A = tpu.sem_alloc : memref<!tpu.dma_semaphore, #tpu.memory_space<semaphore_mem>>
      tpu.enqueue_dma source(%arg4 : memref<100352xi32, #tpu.memory_space<hbm>>) target(%arg8 : memref<100352xi32, #tpu.memory_space<vmem>>) target_semaphore(%run_scoped3A : memref<!tpu.dma_semaphore, #tpu.memory_space<semaphore_mem>>)
      tpu.wait_dma2 semaphore(%run_scoped3A : memref<!tpu.dma_semaphore, #tpu.memory_space<semaphore_mem>>) src(%arg4 : memref<100352xi32, #tpu.memory_space<hbm>>) dst(%arg8 : memref<100352xi32, #tpu.memory_space<vmem>>)
      tpu.yield
    }) : () -> ()
    %add3A_4 = arith.constant 0 : i32
    %add3A_5 = arith.addi %mul3A_2, %add3A_4 : i32
    %dma_start3A = arith.constant 0 : i32
    %dma_start3A_6 = arith.constant 0 : i32
    %dma_start3A_7 = tpu.memref_slice %arg6[%dma_start3A_6] : memref<1792xf32, #tpu.memory_space<vmem>> -> memref<896xf32, #tpu.memory_space<vmem>>
    %dma_start3A_8 = arith.constant 0 : i32
    %dma_start3A_9 = tpu.memref_slice %arg3[%add3A_5, %dma_start3A_8] : memref<1024x896xf32, #tpu.memory_space<hbm>> -> memref<1x896xf32, #tpu.memory_space<hbm>>
    %dma_start3A_10 = tpu.memref_squeeze %dma_start3A_9 : memref<1x896xf32, #tpu.memory_space<hbm>> -> memref<896xf32, #tpu.memory_space<hbm>>
    %dma_start3A_11 = tpu.memref_slice %arg15[%dma_start3A] : memref<2x!tpu.dma_semaphore, #tpu.memory_space<semaphore_mem>> -> memref<1x!tpu.dma_semaphore, #tpu.memory_space<semaphore_mem>>
    %dma_start3A_12 = tpu.memref_squeeze %dma_start3A_11 : memref<1x!tpu.dma_semaphore, #tpu.memory_space<semaphore_mem>> -> memref<!tpu.dma_semaphore, #tpu.memory_space<semaphore_mem>>
    %dma_start3A_13 = arith.constant 0 : i32
    %dma_start3A_14 = tpu.memref_slice %arg6[%dma_start3A_13] : memref<1792xf32, #tpu.memory_space<vmem>> -> memref<896xf32, #tpu.memory_space<vmem>>
    %dma_start3A_15 = arith.constant 0 : i32
    %dma_start3A_16 = tpu.memref_slice %arg3[%add3A_5, %dma_start3A_15] : memref<1024x896xf32, #tpu.memory_space<hbm>> -> memref<1x896xf32, #tpu.memory_space<hbm>>
    %dma_start3A_17 = tpu.memref_squeeze %dma_start3A_16 : memref<1x896xf32, #tpu.memory_space<hbm>> -> memref<896xf32, #tpu.memory_space<hbm>>
    tpu.enqueue_dma source(%dma_start3A_17 : memref<896xf32, #tpu.memory_space<hbm>>) target(%dma_start3A_14 : memref<896xf32, #tpu.memory_space<vmem>>) target_semaphore(%dma_start3A_12 : memref<!tpu.dma_semaphore, #tpu.memory_space<semaphore_mem>>)
    %scan3A = arith.constant 0 : i32
    %scan3A_18 = arith.constant 0 : i32
    %scan3A_19 = arith.constant 32 : i32
    %scan3A_20 = arith.addi %scan3A_18, %scan3A_19 : i32
    %scan3A_21 = arith.constant 1 : i32
    %scan3A_22 = scf.for %scan3A_284 = %scan3A_18 to %scan3A_20 step %scan3A_21 iter_args(%scan3A_285 = %scan3A) -> (i32)  : i32 {
      %rem3A = arith.constant 2 : i32
      %rem3A_286 = arith.remsi %scan3A_284, %rem3A : i32
      %add3A_287 = arith.addi %mul3A_2, %scan3A_284 : i32
      %add3A_288 = arith.addi %mul3A_2, %scan3A_284 : i32
      %mul3A_289 = arith.constant 896 : i32
      %mul3A_290 = arith.muli %rem3A_286, %mul3A_289 : i32
      %dma_wait3A = tpu.memref_slice %arg6[%mul3A_290] : memref<1792xf32, #tpu.memory_space<vmem>> -> memref<896xf32, #tpu.memory_space<vmem>>
      %dma_wait3A_291 = arith.constant 0 : i32
      %dma_wait3A_292 = tpu.memref_slice %arg3[%add3A_288, %dma_wait3A_291] : memref<1024x896xf32, #tpu.memory_space<hbm>> -> memref<1x896xf32, #tpu.memory_space<hbm>>
      %dma_wait3A_293 = tpu.memref_squeeze %dma_wait3A_292 : memref<1x896xf32, #tpu.memory_space<hbm>> -> memref<896xf32, #tpu.memory_space<hbm>>
      %dma_wait3A_294 = tpu.memref_slice %arg15[%rem3A_286] : memref<2x!tpu.dma_semaphore, #tpu.memory_space<semaphore_mem>> -> memref<1x!tpu.dma_semaphore, #tpu.memory_space<semaphore_mem>>
      %dma_wait3A_295 = tpu.memref_squeeze %dma_wait3A_294 : memref<1x!tpu.dma_semaphore, #tpu.memory_space<semaphore_mem>> -> memref<!tpu.dma_semaphore, #tpu.memory_space<semaphore_mem>>
      %dma_wait3A_296 = tpu.memref_slice %arg6[%mul3A_290] : memref<1792xf32, #tpu.memory_space<vmem>> -> memref<896xf32, #tpu.memory_space<vmem>>
      %dma_wait3A_297 = arith.constant 0 : i32
      %dma_wait3A_298 = tpu.memref_slice %arg3[%add3A_288, %dma_wait3A_297] : memref<1024x896xf32, #tpu.memory_space<hbm>> -> memref<1x896xf32, #tpu.memory_space<hbm>>
      %dma_wait3A_299 = tpu.memref_squeeze %dma_wait3A_298 : memref<1x896xf32, #tpu.memory_space<hbm>> -> memref<896xf32, #tpu.memory_space<hbm>>
      tpu.wait_dma2 semaphore(%dma_wait3A_295 : memref<!tpu.dma_semaphore, #tpu.memory_space<semaphore_mem>>) src(%dma_wait3A_299 : memref<896xf32, #tpu.memory_space<hbm>>) dst(%dma_wait3A_296 : memref<896xf32, #tpu.memory_space<vmem>>)
      %add3A_300 = arith.constant 1 : i32
      %add3A_301 = arith.addi %scan3A_284, %add3A_300 : i32
      %lt3A = arith.constant 32 : i32
      %lt3A_302 = arith.cmpi slt, %add3A_301, %lt3A : i32
      %convert_element_type3A = arith.extui %lt3A_302 : i1 to i32
      %cond3A = arith.constant 0 : i32
      %cond3A_303 = arith.cmpi ne, %convert_element_type3A, %cond3A : i32
      scf.if %cond3A_303 {
        %add3A_610 = arith.constant 1 : i32
        %add3A_611 = arith.addi %scan3A_284, %add3A_610 : i32
        %sub3A_612 = arith.constant 1 : i32
        %sub3A_613 = arith.subi %sub3A_612, %rem3A_286 : i32
        %add3A_614 = arith.addi %mul3A_2, %add3A_611 : i32
        %mul3A_615 = arith.constant 896 : i32
        %mul3A_616 = arith.muli %sub3A_613, %mul3A_615 : i32
        %dma_start3A_617 = tpu.memref_slice %arg6[%mul3A_616] : memref<1792xf32, #tpu.memory_space<vmem>> -> memref<896xf32, #tpu.memory_space<vmem>>
        %dma_start3A_618 = arith.constant 0 : i32
        %dma_start3A_619 = tpu.memref_slice %arg3[%add3A_614, %dma_start3A_618] : memref<1024x896xf32, #tpu.memory_space<hbm>> -> memref<1x896xf32, #tpu.memory_space<hbm>>
        %dma_start3A_620 = tpu.memref_squeeze %dma_start3A_619 : memref<1x896xf32, #tpu.memory_space<hbm>> -> memref<896xf32, #tpu.memory_space<hbm>>
        %dma_start3A_621 = tpu.memref_slice %arg15[%sub3A_613] : memref<2x!tpu.dma_semaphore, #tpu.memory_space<semaphore_mem>> -> memref<1x!tpu.dma_semaphore, #tpu.memory_space<semaphore_mem>>
        %dma_start3A_622 = tpu.memref_squeeze %dma_start3A_621 : memref<1x!tpu.dma_semaphore, #tpu.memory_space<semaphore_mem>> -> memref<!tpu.dma_semaphore, #tpu.memory_space<semaphore_mem>>
        %dma_start3A_623 = tpu.memref_slice %arg6[%mul3A_616] : memref<1792xf32, #tpu.memory_space<vmem>> -> memref<896xf32, #tpu.memory_space<vmem>>
        %dma_start3A_624 = arith.constant 0 : i32
        %dma_start3A_625 = tpu.memref_slice %arg3[%add3A_614, %dma_start3A_624] : memref<1024x896xf32, #tpu.memory_space<hbm>> -> memref<1x896xf32, #tpu.memory_space<hbm>>
        %dma_start3A_626 = tpu.memref_squeeze %dma_start3A_625 : memref<1x896xf32, #tpu.memory_space<hbm>> -> memref<896xf32, #tpu.memory_space<hbm>>
        tpu.enqueue_dma source(%dma_start3A_626 : memref<896xf32, #tpu.memory_space<hbm>>) target(%dma_start3A_623 : memref<896xf32, #tpu.memory_space<vmem>>) target_semaphore(%dma_start3A_622 : memref<!tpu.dma_semaphore, #tpu.memory_space<semaphore_mem>>)
      } else {
      }
      %swap3A_304 = arith.constant 0 : index
      %swap3A_305 = tpu.vector_load %arg9[%swap3A_304] {strides = array<i32>} : memref<16xf32, #tpu.memory_space<vmem>>, vector<16xf32>,
      tpu.vector_store %arg9[%swap3A_304], %broadcast_in_dim3A_3 {strides = array<i32>} : memref<16xf32, #tpu.memory_space<vmem>>, vector<16xf32>,
      %broadcast_in_dim3A_306 = arith.constant 0 : i32
      %broadcast_in_dim3A_307 = vector.broadcast %broadcast_in_dim3A_306 : i32 to vector<16xi32>
      %swap3A_308 = arith.constant 0 : index
      %swap3A_309 = tpu.vector_load %arg10[%swap3A_308] {strides = array<i32>} : memref<16xi32, #tpu.memory_space<vmem>>, vector<16xi32>,
      tpu.vector_store %arg10[%swap3A_308], %broadcast_in_dim3A_307 {strides = array<i32>} : memref<16xi32, #tpu.memory_space<vmem>>, vector<16xi32>,
      %swap3A_310 = arith.constant 3.000000e+38 : f32
      %swap3A_311 = arith.constant 1 : i32
      %swap3A_312 = arith.index_cast %swap3A_311 : i32 to index
      %swap3A_313 = memref.load %arg13[%swap3A_312] : memref<2xf32, #tpu.memory_space<smem>>
      memref.store %swap3A_310, %arg13[%swap3A_312] : memref<2xf32, #tpu.memory_space<smem>>
      %mul3A_314 = arith.constant 896 : i32
      %mul3A_315 = arith.muli %rem3A_286, %mul3A_314 : i32
      %scan3A_316 = arith.constant 0 : i32
      %scan3A_317 = arith.constant 0 : i32
      %scan3A_318 = arith.constant 56 : i32
      %scan3A_319 = arith.addi %scan3A_317, %scan3A_318 : i32
      %scan3A_320 = arith.constant 1 : i32
      %scan3A_321 = scf.for %scan3A_610 = %scan3A_317 to %scan3A_319 step %scan3A_320 iter_args(%scan3A_611 = %scan3A_316) -> (i32)  : i32 {
        %mul3A_612 = arith.constant 16 : i32
        %mul3A_613 = arith.muli %scan3A_610, %mul3A_612 : i32
        %add3A_614 = arith.addi %mul3A_315, %mul3A_613 : i32
        %get3A_615 = arith.index_cast %add3A_614 : i32 to index
        %get3A_616 = tpu.vector_load %arg6[%get3A_615] {strides = array<i32>} : memref<1792xf32, #tpu.memory_space<vmem>>, vector<16xf32>,
        %reduce_min3A = arith.constant true
        %reduce_min3A_617 = vector.broadcast %reduce_min3A : i1 to vector<16xi1>
        %reduce_min3A_618 = tpu.scan <min>, %get3A_616 masked %reduce_min3A_617 : vector<16xf32>, vector<16xi1> -> vector<16xf32>
        %reduce_min3A_619 = vector.extract %reduce_min3A_618[15] : f32 from vector<16xf32>
        %get3A_620 = arith.constant 1 : i32
        %get3A_621 = arith.index_cast %get3A_620 : i32 to index
        %get3A_622 = memref.load %arg13[%get3A_621] : memref<2xf32, #tpu.memory_space<smem>>
        %lt3A_623 = arith.cmpf olt, %reduce_min3A_619, %get3A_622 : f32
        %convert_element_type3A_624 = arith.extui %lt3A_623 : i1 to i32
        %cond3A_625 = arith.constant 0 : i32
        %cond3A_626 = arith.cmpi ne, %convert_element_type3A_624, %cond3A_625 : i32
        scf.if %cond3A_626 {
          %mul3A_628 = arith.constant 16 : i32
          %mul3A_629 = arith.muli %scan3A_610, %mul3A_628 : i32
          %add3A_630 = vector.broadcast %mul3A_629 : i32 to vector<16xi32>
          %add3A_631 = arith.addi %iota3A, %add3A_630 : vector<16xi32>
          %masked_sort3A = arith.constant dense<true> : vector<16xi1>
          %masked_sort3A_632, %masked_sort3A_633, %masked_sort3A_634 = tpu.sort %get3A_616, %add3A_631 masked %masked_sort3A : (vector<16xf32>, vector<16xi32>, vector<16xi1>) -> (vector<16xi1>, vector<16xf32>, vector<16xi32>)
          %get3A_635 = arith.constant 0 : index
          %get3A_636 = tpu.vector_load %arg9[%get3A_635] {strides = array<i32>} : memref<16xf32, #tpu.memory_space<vmem>>, vector<16xf32>,
          %get3A_637 = arith.constant 0 : index
          %get3A_638 = tpu.vector_load %arg10[%get3A_637] {strides = array<i32>} : memref<16xi32, #tpu.memory_space<vmem>>, vector<16xi32>,
          %rev3A = arith.constant 15 : i32
          %rev3A_639 = vector.broadcast %rev3A : i32 to vector<16xi32>
          %rev3A_640 = tpu.iota {dimensions = array<i32: 0>} : vector<16xi32>
          %rev3A_641 = arith.subi %rev3A_639, %rev3A_640 : vector<16xi32>
          %rev3A_642 = tpu.dynamic_gather %masked_sort3A_633[%rev3A_641] in [0] : vector<16xf32>, vector<16xi32> -> vector<16xf32>
          %rev3A_643 = arith.constant 15 : i32
          %rev3A_644 = vector.broadcast %rev3A_643 : i32 to vector<16xi32>
          %rev3A_645 = tpu.iota {dimensions = array<i32: 0>} : vector<16xi32>
          %rev3A_646 = arith.subi %rev3A_644, %rev3A_645 : vector<16xi32>
          %rev3A_647 = tpu.dynamic_gather %masked_sort3A_634[%rev3A_646] in [0] : vector<16xi32>, vector<16xi32> -> vector<16xi32>
          %le3A = arith.cmpf ole, %get3A_636, %rev3A_642 : vector<16xf32>
          %select_n3A_648 = arith.select %le3A, %get3A_636, %rev3A_642 : vector<16xi1>, vector<16xf32>
          %select_n3A_649 = arith.select %le3A, %get3A_638, %rev3A_647 : vector<16xi1>, vector<16xi32>
          %masked_sort3A_650 = arith.constant dense<true> : vector<16xi1>
          %masked_sort3A_651, %masked_sort3A_652, %masked_sort3A_653 = tpu.sort %select_n3A_648, %select_n3A_649 masked %masked_sort3A_650 : (vector<16xf32>, vector<16xi32>, vector<16xi1>) -> (vector<16xi1>, vector<16xf32>, vector<16xi32>)
          %swap3A_654 = arith.constant 0 : index
          %swap3A_655 = tpu.vector_load %arg9[%swap3A_654] {strides = array<i32>} : memref<16xf32, #tpu.memory_space<vmem>>, vector<16xf32>,
          tpu.vector_store %arg9[%swap3A_654], %masked_sort3A_652 {strides = array<i32>} : memref<16xf32, #tpu.memory_space<vmem>>, vector<16xf32>,
          %swap3A_656 = arith.constant 0 : index
          %swap3A_657 = tpu.vector_load %arg10[%swap3A_656] {strides = array<i32>} : memref<16xi32, #tpu.memory_space<vmem>>, vector<16xi32>,
          tpu.vector_store %arg10[%swap3A_656], %masked_sort3A_653 {strides = array<i32>} : memref<16xi32, #tpu.memory_space<vmem>>, vector<16xi32>,
          %slice3A_658 = vector.extract_strided_slice %masked_sort3A_652 {offsets = [15], sizes = [1], strides = [1]} : vector<16xf32> to vector<1xf32>
          %squeeze3A_659 = vector.extract %slice3A_658[0] : f32 from vector<1xf32>
          %swap3A_660 = arith.constant 1 : i32
          %swap3A_661 = arith.index_cast %swap3A_660 : i32 to index
          %swap3A_662 = memref.load %arg13[%swap3A_661] : memref<2xf32, #tpu.memory_space<smem>>
          memref.store %squeeze3A_659, %arg13[%swap3A_661] : memref<2xf32, #tpu.memory_space<smem>>
        } else {
        }
        %scan3A_627 = arith.constant 0 : i32
        scf.yield %scan3A_627 : i32
      }
      %scan3A_322 = arith.constant 56 : i32
      %get3A_323 = arith.constant 0 : index
      %get3A_324 = tpu.vector_load %arg10[%get3A_323] {strides = array<i32>} : memref<16xi32, #tpu.memory_space<vmem>>, vector<16xi32>,
      %slice3A = vector.extract_strided_slice %get3A_324 {offsets = [0], sizes = [1], strides = [1]} : vector<16xi32> to vector<1xi32>
      %squeeze3A = vector.extract %slice3A[0] : i32 from vector<1xi32>
      %swap3A_325 = arith.constant 0 : i32
      %swap3A_326 = arith.index_cast %swap3A_325 : i32 to index
      %swap3A_327 = memref.load %arg12[%swap3A_326] : memref<16xi32, #tpu.memory_space<smem>>
      memref.store %squeeze3A, %arg12[%swap3A_326] : memref<16xi32, #tpu.memory_space<smem>>
      %slice3A_328 = vector.extract_strided_slice %get3A_324 {offsets = [1], sizes = [1], strides = [1]} : vector<16xi32> to vector<1xi32>
      %squeeze3A_329 = vector.extract %slice3A_328[0] : i32 from vector<1xi32>
      %swap3A_330 = arith.constant 1 : i32
      %swap3A_331 = arith.index_cast %swap3A_330 : i32 to index
      %swap3A_332 = memref.load %arg12[%swap3A_331] : memref<16xi32, #tpu.memory_space<smem>>
      memref.store %squeeze3A_329, %arg12[%swap3A_331] : memref<16xi32, #tpu.memory_space<smem>>
      %slice3A_333 = vector.extract_strided_slice %get3A_324 {offsets = [2], sizes = [1], strides = [1]} : vector<16xi32> to vector<1xi32>
      %squeeze3A_334 = vector.extract %slice3A_333[0] : i32 from vector<1xi32>
      %swap3A_335 = arith.constant 2 : i32
      %swap3A_336 = arith.index_cast %swap3A_335 : i32 to index
      %swap3A_337 = memref.load %arg12[%swap3A_336] : memref<16xi32, #tpu.memory_space<smem>>
      memref.store %squeeze3A_334, %arg12[%swap3A_336] : memref<16xi32, #tpu.memory_space<smem>>
      %slice3A_338 = vector.extract_strided_slice %get3A_324 {offsets = [3], sizes = [1], strides = [1]} : vector<16xi32> to vector<1xi32>
      %squeeze3A_339 = vector.extract %slice3A_338[0] : i32 from vector<1xi32>
      %swap3A_340 = arith.constant 3 : i32
      %swap3A_341 = arith.index_cast %swap3A_340 : i32 to index
      %swap3A_342 = memref.load %arg12[%swap3A_341] : memref<16xi32, #tpu.memory_space<smem>>
      memref.store %squeeze3A_339, %arg12[%swap3A_341] : memref<16xi32, #tpu.memory_space<smem>>
      %slice3A_343 = vector.extract_strided_slice %get3A_324 {offsets = [4], sizes = [1], strides = [1]} : vector<16xi32> to vector<1xi32>
      %squeeze3A_344 = vector.extract %slice3A_343[0] : i32 from vector<1xi32>
      %swap3A_345 = arith.constant 4 : i32
      %swap3A_346 = arith.index_cast %swap3A_345 : i32 to index
      %swap3A_347 = memref.load %arg12[%swap3A_346] : memref<16xi32, #tpu.memory_space<smem>>
      memref.store %squeeze3A_344, %arg12[%swap3A_346] : memref<16xi32, #tpu.memory_space<smem>>
      %slice3A_348 = vector.extract_strided_slice %get3A_324 {offsets = [5], sizes = [1], strides = [1]} : vector<16xi32> to vector<1xi32>
      %squeeze3A_349 = vector.extract %slice3A_348[0] : i32 from vector<1xi32>
      %swap3A_350 = arith.constant 5 : i32
      %swap3A_351 = arith.index_cast %swap3A_350 : i32 to index
      %swap3A_352 = memref.load %arg12[%swap3A_351] : memref<16xi32, #tpu.memory_space<smem>>
      memref.store %squeeze3A_349, %arg12[%swap3A_351] : memref<16xi32, #tpu.memory_space<smem>>
      %slice3A_353 = vector.extract_strided_slice %get3A_324 {offsets = [6], sizes = [1], strides = [1]} : vector<16xi32> to vector<1xi32>
      %squeeze3A_354 = vector.extract %slice3A_353[0] : i32 from vector<1xi32>
      %swap3A_355 = arith.constant 6 : i32
      %swap3A_356 = arith.index_cast %swap3A_355 : i32 to index
      %swap3A_357 = memref.load %arg12[%swap3A_356] : memref<16xi32, #tpu.memory_space<smem>>
      memref.store %squeeze3A_354, %arg12[%swap3A_356] : memref<16xi32, #tpu.memory_space<smem>>
      %slice3A_358 = vector.extract_strided_slice %get3A_324 {offsets = [7], sizes = [1], strides = [1]} : vector<16xi32> to vector<1xi32>
      %squeeze3A_359 = vector.extract %slice3A_358[0] : i32 from vector<1xi32>
      %swap3A_360 = arith.constant 7 : i32
      %swap3A_361 = arith.index_cast %swap3A_360 : i32 to index
      %swap3A_362 = memref.load %arg12[%swap3A_361] : memref<16xi32, #tpu.memory_space<smem>>
      memref.store %squeeze3A_359, %arg12[%swap3A_361] : memref<16xi32, #tpu.memory_space<smem>>
      %slice3A_363 = vector.extract_strided_slice %get3A_324 {offsets = [8], sizes = [1], strides = [1]} : vector<16xi32> to vector<1xi32>
      %squeeze3A_364 = vector.extract %slice3A_363[0] : i32 from vector<1xi32>
      %swap3A_365 = arith.constant 8 : i32
      %swap3A_366 = arith.index_cast %swap3A_365 : i32 to index
      %swap3A_367 = memref.load %arg12[%swap3A_366] : memref<16xi32, #tpu.memory_space<smem>>
      memref.store %squeeze3A_364, %arg12[%swap3A_366] : memref<16xi32, #tpu.memory_space<smem>>
      %slice3A_368 = vector.extract_strided_slice %get3A_324 {offsets = [9], sizes = [1], strides = [1]} : vector<16xi32> to vector<1xi32>
      %squeeze3A_369 = vector.extract %slice3A_368[0] : i32 from vector<1xi32>
      %swap3A_370 = arith.constant 9 : i32
      %swap3A_371 = arith.index_cast %swap3A_370 : i32 to index
      %swap3A_372 = memref.load %arg12[%swap3A_371] : memref<16xi32, #tpu.memory_space<smem>>
      memref.store %squeeze3A_369, %arg12[%swap3A_371] : memref<16xi32, #tpu.memory_space<smem>>
      %slice3A_373 = vector.extract_strided_slice %get3A_324 {offsets = [10], sizes = [1], strides = [1]} : vector<16xi32> to vector<1xi32>
      %squeeze3A_374 = vector.extract %slice3A_373[0] : i32 from vector<1xi32>
      %swap3A_375 = arith.constant 10 : i32
      %swap3A_376 = arith.index_cast %swap3A_375 : i32 to index
      %swap3A_377 = memref.load %arg12[%swap3A_376] : memref<16xi32, #tpu.memory_space<smem>>
      memref.store %squeeze3A_374, %arg12[%swap3A_376] : memref<16xi32, #tpu.memory_space<smem>>
      %slice3A_378 = vector.extract_strided_slice %get3A_324 {offsets = [11], sizes = [1], strides = [1]} : vector<16xi32> to vector<1xi32>
      %squeeze3A_379 = vector.extract %slice3A_378[0] : i32 from vector<1xi32>
      %swap3A_380 = arith.constant 11 : i32
      %swap3A_381 = arith.index_cast %swap3A_380 : i32 to index
      %swap3A_382 = memref.load %arg12[%swap3A_381] : memref<16xi32, #tpu.memory_space<smem>>
      memref.store %squeeze3A_379, %arg12[%swap3A_381] : memref<16xi32, #tpu.memory_space<smem>>
      %slice3A_383 = vector.extract_strided_slice %get3A_324 {offsets = [12], sizes = [1], strides = [1]} : vector<16xi32> to vector<1xi32>
      %squeeze3A_384 = vector.extract %slice3A_383[0] : i32 from vector<1xi32>
      %swap3A_385 = arith.constant 12 : i32
      %swap3A_386 = arith.index_cast %swap3A_385 : i32 to index
      %swap3A_387 = memref.load %arg12[%swap3A_386] : memref<16xi32, #tpu.memory_space<smem>>
      memref.store %squeeze3A_384, %arg12[%swap3A_386] : memref<16xi32, #tpu.memory_space<smem>>
      %slice3A_388 = vector.extract_strided_slice %get3A_324 {offsets = [13], sizes = [1], strides = [1]} : vector<16xi32> to vector<1xi32>
      %squeeze3A_389 = vector.extract %slice3A_388[0] : i32 from vector<1xi32>
      %swap3A_390 = arith.constant 13 : i32
      %swap3A_391 = arith.index_cast %swap3A_390 : i32 to index
      %swap3A_392 = memref.load %arg12[%swap3A_391] : memref<16xi32, #tpu.memory_space<smem>>
      memref.store %squeeze3A_389, %arg12[%swap3A_391] : memref<16xi32, #tpu.memory_space<smem>>
      %slice3A_393 = vector.extract_strided_slice %get3A_324 {offsets = [14], sizes = [1], strides = [1]} : vector<16xi32> to vector<1xi32>
      %squeeze3A_394 = vector.extract %slice3A_393[0] : i32 from vector<1xi32>
      %swap3A_395 = arith.constant 14 : i32
      %swap3A_396 = arith.index_cast %swap3A_395 : i32 to index
      %swap3A_397 = memref.load %arg12[%swap3A_396] : memref<16xi32, #tpu.memory_space<smem>>
      memref.store %squeeze3A_394, %arg12[%swap3A_396] : memref<16xi32, #tpu.memory_space<smem>>
      %slice3A_398 = vector.extract_strided_slice %get3A_324 {offsets = [15], sizes = [1], strides = [1]} : vector<16xi32> to vector<1xi32>
      %squeeze3A_399 = vector.extract %slice3A_398[0] : i32 from vector<1xi32>
      %swap3A_400 = arith.constant 15 : i32
      %swap3A_401 = arith.index_cast %swap3A_400 : i32 to index
      %swap3A_402 = memref.load %arg12[%swap3A_401] : memref<16xi32, #tpu.memory_space<smem>>
      memref.store %squeeze3A_399, %arg12[%swap3A_401] : memref<16xi32, #tpu.memory_space<smem>>
      %scan3A_403 = arith.constant 0 : i32
      %scan3A_404 = arith.constant 0 : i32
      %scan3A_405 = arith.constant 16 : i32
      %scan3A_406 = arith.addi %scan3A_404, %scan3A_405 : i32
      %scan3A_407 = arith.constant 1 : i32
      %scan3A_408 = scf.for %scan3A_610 = %scan3A_404 to %scan3A_406 step %scan3A_407 iter_args(%scan3A_611 = %scan3A_403) -> (i32)  : i32 {
        %get3A_612 = arith.index_cast %scan3A_610 : i32 to index
        %get3A_613 = memref.load %arg12[%get3A_612] : memref<16xi32, #tpu.memory_space<smem>>
        %mul3A_614 = arith.constant 128 : i32
        %mul3A_615 = arith.muli %get3A_613, %mul3A_614 : i32
        %mul3A_616 = arith.constant 128 : i32
        %mul3A_617 = arith.muli %scan3A_610, %mul3A_616 : i32
        %dma_start3A_618 = tpu.memref_slice %arg7[%mul3A_617] : memref<2048xf32, #tpu.memory_space<vmem>> -> memref<128xf32, #tpu.memory_space<vmem>>
        %dma_start3A_619 = tpu.memref_slice %arg2[%add3A_287, %mul3A_615] : memref<1024x100352xf32, #tpu.memory_space<hbm>> -> memref<1x128xf32, #tpu.memory_space<hbm>>
        %dma_start3A_620 = tpu.memref_squeeze %dma_start3A_619 : memref<1x128xf32, #tpu.memory_space<hbm>> -> memref<128xf32, #tpu.memory_space<hbm>>
        %dma_start3A_621 = tpu.memref_slice %arg7[%mul3A_617] : memref<2048xf32, #tpu.memory_space<vmem>> -> memref<128xf32, #tpu.memory_space<vmem>>
        %dma_start3A_622 = tpu.memref_slice %arg2[%add3A_287, %mul3A_615] : memref<1024x100352xf32, #tpu.memory_space<hbm>> -> memref<1x128xf32, #tpu.memory_space<hbm>>
        %dma_start3A_623 = tpu.memref_squeeze %dma_start3A_622 : memref<1x128xf32, #tpu.memory_space<hbm>> -> memref<128xf32, #tpu.memory_space<hbm>>
        tpu.enqueue_dma source(%dma_start3A_623 : memref<128xf32, #tpu.memory_space<hbm>>) target(%dma_start3A_621 : memref<128xf32, #tpu.memory_space<vmem>>) target_semaphore(%arg16 : memref<!tpu.dma_semaphore, #tpu.memory_space<semaphore_mem>>)
        %scan3A_624 = arith.constant 0 : i32
        scf.yield %scan3A_624 : i32
      }
      %scan3A_409 = arith.constant 16 : i32
      %swap3A_410 = arith.constant 0 : index
      %swap3A_411 = tpu.vector_load %arg9[%swap3A_410] {strides = array<i32>} : memref<16xf32, #tpu.memory_space<vmem>>, vector<16xf32>,
      tpu.vector_store %arg9[%swap3A_410], %broadcast_in_dim3A_3 {strides = array<i32>} : memref<16xf32, #tpu.memory_space<vmem>>, vector<16xf32>,
      %broadcast_in_dim3A_412 = arith.constant 0 : i32
      %broadcast_in_dim3A_413 = vector.broadcast %broadcast_in_dim3A_412 : i32 to vector<16xi32>
      %swap3A_414 = arith.constant 0 : index
      %swap3A_415 = tpu.vector_load %arg10[%swap3A_414] {strides = array<i32>} : memref<16xi32, #tpu.memory_space<vmem>>, vector<16xi32>,
      tpu.vector_store %arg10[%swap3A_414], %broadcast_in_dim3A_413 {strides = array<i32>} : memref<16xi32, #tpu.memory_space<vmem>>, vector<16xi32>,
      %swap3A_416 = arith.constant 3.000000e+38 : f32
      %swap3A_417 = arith.constant 0 : i32
      %swap3A_418 = arith.index_cast %swap3A_417 : i32 to index
      %swap3A_419 = memref.load %arg13[%swap3A_418] : memref<2xf32, #tpu.memory_space<smem>>
      memref.store %swap3A_416, %arg13[%swap3A_418] : memref<2xf32, #tpu.memory_space<smem>>
      %scan3A_420 = arith.constant 0 : i32
      %scan3A_421 = arith.constant 0 : i32
      %scan3A_422 = arith.constant 16 : i32
      %scan3A_423 = arith.addi %scan3A_421, %scan3A_422 : i32
      %scan3A_424 = arith.constant 1 : i32
      %scan3A_425 = scf.for %scan3A_610 = %scan3A_421 to %scan3A_423 step %scan3A_424 iter_args(%scan3A_611 = %scan3A_420) -> (i32)  : i32 {
        %get3A_612 = arith.index_cast %scan3A_610 : i32 to index
        %get3A_613 = memref.load %arg12[%get3A_612] : memref<16xi32, #tpu.memory_space<smem>>
        %mul3A_614 = arith.constant 128 : i32
        %mul3A_615 = arith.muli %get3A_613, %mul3A_614 : i32
        %mul3A_616 = arith.constant 128 : i32
        %mul3A_617 = arith.muli %scan3A_610, %mul3A_616 : i32
        %dma_wait3A_618 = tpu.memref_slice %arg7[%mul3A_617] : memref<2048xf32, #tpu.memory_space<vmem>> -> memref<128xf32, #tpu.memory_space<vmem>>
        %dma_wait3A_619 = tpu.memref_slice %arg2[%add3A_287, %mul3A_615] : memref<1024x100352xf32, #tpu.memory_space<hbm>> -> memref<1x128xf32, #tpu.memory_space<hbm>>
        %dma_wait3A_620 = tpu.memref_squeeze %dma_wait3A_619 : memref<1x128xf32, #tpu.memory_space<hbm>> -> memref<128xf32, #tpu.memory_space<hbm>>
        %dma_wait3A_621 = tpu.memref_slice %arg7[%mul3A_617] : memref<2048xf32, #tpu.memory_space<vmem>> -> memref<128xf32, #tpu.memory_space<vmem>>
        %dma_wait3A_622 = tpu.memref_slice %arg2[%add3A_287, %mul3A_615] : memref<1024x100352xf32, #tpu.memory_space<hbm>> -> memref<1x128xf32, #tpu.memory_space<hbm>>
        %dma_wait3A_623 = tpu.memref_squeeze %dma_wait3A_622 : memref<1x128xf32, #tpu.memory_space<hbm>> -> memref<128xf32, #tpu.memory_space<hbm>>
        tpu.wait_dma2 semaphore(%arg16 : memref<!tpu.dma_semaphore, #tpu.memory_space<semaphore_mem>>) src(%dma_wait3A_623 : memref<128xf32, #tpu.memory_space<hbm>>) dst(%dma_wait3A_621 : memref<128xf32, #tpu.memory_space<vmem>>)
        %mul3A_624 = arith.constant 128 : i32
        %mul3A_625 = arith.muli %scan3A_610, %mul3A_624 : i32
        %add3A_626 = arith.constant 0 : i32
        %add3A_627 = arith.addi %mul3A_625, %add3A_626 : i32
        %get3A_628 = arith.index_cast %add3A_627 : i32 to index
        %get3A_629 = tpu.vector_load %arg7[%get3A_628] {strides = array<i32>} : memref<2048xf32, #tpu.memory_space<vmem>>, vector<16xf32>,
        %reduce_min3A = arith.constant true
        %reduce_min3A_630 = vector.broadcast %reduce_min3A : i1 to vector<16xi1>
        %reduce_min3A_631 = tpu.scan <min>, %get3A_629 masked %reduce_min3A_630 : vector<16xf32>, vector<16xi1> -> vector<16xf32>
        %reduce_min3A_632 = vector.extract %reduce_min3A_631[15] : f32 from vector<16xf32>
        %get3A_633 = arith.constant 0 : i32
        %get3A_634 = arith.index_cast %get3A_633 : i32 to index
        %get3A_635 = memref.load %arg13[%get3A_634] : memref<2xf32, #tpu.memory_space<smem>>
        %lt3A_636 = arith.cmpf olt, %reduce_min3A_632, %get3A_635 : f32
        %convert_element_type3A_637 = arith.extui %lt3A_636 : i1 to i32
        %cond3A_638 = arith.constant 0 : i32
        %cond3A_639 = arith.cmpi ne, %convert_element_type3A_637, %cond3A_638 : i32
        scf.if %cond3A_639 {
          %mul3A_760 = arith.constant 128 : i32
          %mul3A_761 = arith.muli %get3A_613, %mul3A_760 : i32
          %add3A_762 = arith.constant 0 : i32
          %add3A_763 = arith.addi %mul3A_761, %add3A_762 : i32
          %add3A_764 = vector.broadcast %add3A_763 : i32 to vector<16xi32>
          %add3A_765 = arith.addi %iota3A, %add3A_764 : vector<16xi32>
          %masked_sort3A = arith.constant dense<true> : vector<16xi1>
          %masked_sort3A_766, %masked_sort3A_767, %masked_sort3A_768 = tpu.sort %get3A_629, %add3A_765 masked %masked_sort3A : (vector<16xf32>, vector<16xi32>, vector<16xi1>) -> (vector<16xi1>, vector<16xf32>, vector<16xi32>)
          %get3A_769 = arith.constant 0 : index
          %get3A_770 = tpu.vector_load %arg9[%get3A_769] {strides = array<i32>} : memref<16xf32, #tpu.memory_space<vmem>>, vector<16xf32>,
          %get3A_771 = arith.constant 0 : index
          %get3A_772 = tpu.vector_load %arg10[%get3A_771] {strides = array<i32>} : memref<16xi32, #tpu.memory_space<vmem>>, vector<16xi32>,
          %rev3A = arith.constant 15 : i32
          %rev3A_773 = vector.broadcast %rev3A : i32 to vector<16xi32>
          %rev3A_774 = tpu.iota {dimensions = array<i32: 0>} : vector<16xi32>
          %rev3A_775 = arith.subi %rev3A_773, %rev3A_774 : vector<16xi32>
          %rev3A_776 = tpu.dynamic_gather %masked_sort3A_767[%rev3A_775] in [0] : vector<16xf32>, vector<16xi32> -> vector<16xf32>
          %rev3A_777 = arith.constant 15 : i32
          %rev3A_778 = vector.broadcast %rev3A_777 : i32 to vector<16xi32>
          %rev3A_779 = tpu.iota {dimensions = array<i32: 0>} : vector<16xi32>
          %rev3A_780 = arith.subi %rev3A_778, %rev3A_779 : vector<16xi32>
          %rev3A_781 = tpu.dynamic_gather %masked_sort3A_768[%rev3A_780] in [0] : vector<16xi32>, vector<16xi32> -> vector<16xi32>
          %le3A = arith.cmpf ole, %get3A_770, %rev3A_776 : vector<16xf32>
          %select_n3A_782 = arith.select %le3A, %get3A_770, %rev3A_776 : vector<16xi1>, vector<16xf32>
          %select_n3A_783 = arith.select %le3A, %get3A_772, %rev3A_781 : vector<16xi1>, vector<16xi32>
          %masked_sort3A_784 = arith.constant dense<true> : vector<16xi1>
          %masked_sort3A_785, %masked_sort3A_786, %masked_sort3A_787 = tpu.sort %select_n3A_782, %select_n3A_783 masked %masked_sort3A_784 : (vector<16xf32>, vector<16xi32>, vector<16xi1>) -> (vector<16xi1>, vector<16xf32>, vector<16xi32>)
          %swap3A_788 = arith.constant 0 : index
          %swap3A_789 = tpu.vector_load %arg9[%swap3A_788] {strides = array<i32>} : memref<16xf32, #tpu.memory_space<vmem>>, vector<16xf32>,
          tpu.vector_store %arg9[%swap3A_788], %masked_sort3A_786 {strides = array<i32>} : memref<16xf32, #tpu.memory_space<vmem>>, vector<16xf32>,
          %swap3A_790 = arith.constant 0 : index
          %swap3A_791 = tpu.vector_load %arg10[%swap3A_790] {strides = array<i32>} : memref<16xi32, #tpu.memory_space<vmem>>, vector<16xi32>,
          tpu.vector_store %arg10[%swap3A_790], %masked_sort3A_787 {strides = array<i32>} : memref<16xi32, #tpu.memory_space<vmem>>, vector<16xi32>,
          %slice3A_792 = vector.extract_strided_slice %masked_sort3A_786 {offsets = [15], sizes = [1], strides = [1]} : vector<16xf32> to vector<1xf32>
          %squeeze3A_793 = vector.extract %slice3A_792[0] : f32 from vector<1xf32>
          %swap3A_794 = arith.constant 0 : i32
          %swap3A_795 = arith.index_cast %swap3A_794 : i32 to index
          %swap3A_796 = memref.load %arg13[%swap3A_795] : memref<2xf32, #tpu.memory_space<smem>>
          memref.store %squeeze3A_793, %arg13[%swap3A_795] : memref<2xf32, #tpu.memory_space<smem>>
        } else {
        }
        %mul3A_640 = arith.constant 128 : i32
        %mul3A_641 = arith.muli %scan3A_610, %mul3A_640 : i32
        %add3A_642 = arith.constant 16 : i32
        %add3A_643 = arith.addi %mul3A_641, %add3A_642 : i32
        %get3A_644 = arith.index_cast %add3A_643 : i32 to index
        %get3A_645 = tpu.vector_load %arg7[%get3A_644] {strides = array<i32>} : memref<2048xf32, #tpu.memory_space<vmem>>, vector<16xf32>,
        %reduce_min3A_646 = arith.constant true
        %reduce_min3A_647 = vector.broadcast %reduce_min3A_646 : i1 to vector<16xi1>
        %reduce_min3A_648 = tpu.scan <min>, %get3A_645 masked %reduce_min3A_647 : vector<16xf32>, vector<16xi1> -> vector<16xf32>
        %reduce_min3A_649 = vector.extract %reduce_min3A_648[15] : f32 from vector<16xf32>
        %get3A_650 = arith.constant 0 : i32
        %get3A_651 = arith.index_cast %get3A_650 : i32 to index
        %get3A_652 = memref.load %arg13[%get3A_651] : memref<2xf32, #tpu.memory_space<smem>>
        %lt3A_653 = arith.cmpf olt, %reduce_min3A_649, %get3A_652 : f32
        %convert_element_type3A_654 = arith.extui %lt3A_653 : i1 to i32
        %cond3A_655 = arith.constant 0 : i32
        %cond3A_656 = arith.cmpi ne, %convert_element_type3A_654, %cond3A_655 : i32
        scf.if %cond3A_656 {
          %mul3A_760 = arith.constant 128 : i32
          %mul3A_761 = arith.muli %get3A_613, %mul3A_760 : i32
          %add3A_762 = arith.constant 16 : i32
          %add3A_763 = arith.addi %mul3A_761, %add3A_762 : i32
          %add3A_764 = vector.broadcast %add3A_763 : i32 to vector<16xi32>
          %add3A_765 = arith.addi %iota3A, %add3A_764 : vector<16xi32>
          %masked_sort3A = arith.constant dense<true> : vector<16xi1>
          %masked_sort3A_766, %masked_sort3A_767, %masked_sort3A_768 = tpu.sort %get3A_645, %add3A_765 masked %masked_sort3A : (vector<16xf32>, vector<16xi32>, vector<16xi1>) -> (vector<16xi1>, vector<16xf32>, vector<16xi32>)
          %get3A_769 = arith.constant 0 : index
          %get3A_770 = tpu.vector_load %arg9[%get3A_769] {strides = array<i32>} : memref<16xf32, #tpu.memory_space<vmem>>, vector<16xf32>,
          %get3A_771 = arith.constant 0 : index
          %get3A_772 = tpu.vector_load %arg10[%get3A_771] {strides = array<i32>} : memref<16xi32, #tpu.memory_space<vmem>>, vector<16xi32>,
          %rev3A = arith.constant 15 : i32
          %rev3A_773 = vector.broadcast %rev3A : i32 to vector<16xi32>
          %rev3A_774 = tpu.iota {dimensions = array<i32: 0>} : vector<16xi32>
          %rev3A_775 = arith.subi %rev3A_773, %rev3A_774 : vector<16xi32>
          %rev3A_776 = tpu.dynamic_gather %masked_sort3A_767[%rev3A_775] in [0] : vector<16xf32>, vector<16xi32> -> vector<16xf32>
          %rev3A_777 = arith.constant 15 : i32
          %rev3A_778 = vector.broadcast %rev3A_777 : i32 to vector<16xi32>
          %rev3A_779 = tpu.iota {dimensions = array<i32: 0>} : vector<16xi32>
          %rev3A_780 = arith.subi %rev3A_778, %rev3A_779 : vector<16xi32>
          %rev3A_781 = tpu.dynamic_gather %masked_sort3A_768[%rev3A_780] in [0] : vector<16xi32>, vector<16xi32> -> vector<16xi32>
          %le3A = arith.cmpf ole, %get3A_770, %rev3A_776 : vector<16xf32>
          %select_n3A_782 = arith.select %le3A, %get3A_770, %rev3A_776 : vector<16xi1>, vector<16xf32>
          %select_n3A_783 = arith.select %le3A, %get3A_772, %rev3A_781 : vector<16xi1>, vector<16xi32>
          %masked_sort3A_784 = arith.constant dense<true> : vector<16xi1>
          %masked_sort3A_785, %masked_sort3A_786, %masked_sort3A_787 = tpu.sort %select_n3A_782, %select_n3A_783 masked %masked_sort3A_784 : (vector<16xf32>, vector<16xi32>, vector<16xi1>) -> (vector<16xi1>, vector<16xf32>, vector<16xi32>)
          %swap3A_788 = arith.constant 0 : index
          %swap3A_789 = tpu.vector_load %arg9[%swap3A_788] {strides = array<i32>} : memref<16xf32, #tpu.memory_space<vmem>>, vector<16xf32>,
          tpu.vector_store %arg9[%swap3A_788], %masked_sort3A_786 {strides = array<i32>} : memref<16xf32, #tpu.memory_space<vmem>>, vector<16xf32>,
          %swap3A_790 = arith.constant 0 : index
          %swap3A_791 = tpu.vector_load %arg10[%swap3A_790] {strides = array<i32>} : memref<16xi32, #tpu.memory_space<vmem>>, vector<16xi32>,
          tpu.vector_store %arg10[%swap3A_790], %masked_sort3A_787 {strides = array<i32>} : memref<16xi32, #tpu.memory_space<vmem>>, vector<16xi32>,
          %slice3A_792 = vector.extract_strided_slice %masked_sort3A_786 {offsets = [15], sizes = [1], strides = [1]} : vector<16xf32> to vector<1xf32>
          %squeeze3A_793 = vector.extract %slice3A_792[0] : f32 from vector<1xf32>
          %swap3A_794 = arith.constant 0 : i32
          %swap3A_795 = arith.index_cast %swap3A_794 : i32 to index
          %swap3A_796 = memref.load %arg13[%swap3A_795] : memref<2xf32, #tpu.memory_space<smem>>
          memref.store %squeeze3A_793, %arg13[%swap3A_795] : memref<2xf32, #tpu.memory_space<smem>>
        } else {
        }
        %mul3A_657 = arith.constant 128 : i32
        %mul3A_658 = arith.muli %scan3A_610, %mul3A_657 : i32
        %add3A_659 = arith.constant 32 : i32
        %add3A_660 = arith.addi %mul3A_658, %add3A_659 : i32
        %get3A_661 = arith.index_cast %add3A_660 : i32 to index
        %get3A_662 = tpu.vector_load %arg7[%get3A_661] {strides = array<i32>} : memref<2048xf32, #tpu.memory_space<vmem>>, vector<16xf32>,
        %reduce_min3A_663 = arith.constant true
        %reduce_min3A_664 = vector.broadcast %reduce_min3A_663 : i1 to vector<16xi1>
        %reduce_min3A_665 = tpu.scan <min>, %get3A_662 masked %reduce_min3A_664 : vector<16xf32>, vector<16xi1> -> vector<16xf32>
        %reduce_min3A_666 = vector.extract %reduce_min3A_665[15] : f32 from vector<16xf32>
        %get3A_667 = arith.constant 0 : i32
        %get3A_668 = arith.index_cast %get3A_667 : i32 to index
        %get3A_669 = memref.load %arg13[%get3A_668] : memref<2xf32, #tpu.memory_space<smem>>
        %lt3A_670 = arith.cmpf olt, %reduce_min3A_666, %get3A_669 : f32
        %convert_element_type3A_671 = arith.extui %lt3A_670 : i1 to i32
        %cond3A_672 = arith.constant 0 : i32
        %cond3A_673 = arith.cmpi ne, %convert_element_type3A_671, %cond3A_672 : i32
        scf.if %cond3A_673 {
          %mul3A_760 = arith.constant 128 : i32
          %mul3A_761 = arith.muli %get3A_613, %mul3A_760 : i32
          %add3A_762 = arith.constant 32 : i32
          %add3A_763 = arith.addi %mul3A_761, %add3A_762 : i32
          %add3A_764 = vector.broadcast %add3A_763 : i32 to vector<16xi32>
          %add3A_765 = arith.addi %iota3A, %add3A_764 : vector<16xi32>
          %masked_sort3A = arith.constant dense<true> : vector<16xi1>
          %masked_sort3A_766, %masked_sort3A_767, %masked_sort3A_768 = tpu.sort %get3A_662, %add3A_765 masked %masked_sort3A : (vector<16xf32>, vector<16xi32>, vector<16xi1>) -> (vector<16xi1>, vector<16xf32>, vector<16xi32>)
          %get3A_769 = arith.constant 0 : index
          %get3A_770 = tpu.vector_load %arg9[%get3A_769] {strides = array<i32>} : memref<16xf32, #tpu.memory_space<vmem>>, vector<16xf32>,
          %get3A_771 = arith.constant 0 : index
          %get3A_772 = tpu.vector_load %arg10[%get3A_771] {strides = array<i32>} : memref<16xi32, #tpu.memory_space<vmem>>, vector<16xi32>,
          %rev3A = arith.constant 15 : i32
          %rev3A_773 = vector.broadcast %rev3A : i32 to vector<16xi32>
          %rev3A_774 = tpu.iota {dimensions = array<i32: 0>} : vector<16xi32>
          %rev3A_775 = arith.subi %rev3A_773, %rev3A_774 : vector<16xi32>
          %rev3A_776 = tpu.dynamic_gather %masked_sort3A_767[%rev3A_775] in [0] : vector<16xf32>, vector<16xi32> -> vector<16xf32>
          %rev3A_777 = arith.constant 15 : i32
          %rev3A_778 = vector.broadcast %rev3A_777 : i32 to vector<16xi32>
          %rev3A_779 = tpu.iota {dimensions = array<i32: 0>} : vector<16xi32>
          %rev3A_780 = arith.subi %rev3A_778, %rev3A_779 : vector<16xi32>
          %rev3A_781 = tpu.dynamic_gather %masked_sort3A_768[%rev3A_780] in [0] : vector<16xi32>, vector<16xi32> -> vector<16xi32>
          %le3A = arith.cmpf ole, %get3A_770, %rev3A_776 : vector<16xf32>
          %select_n3A_782 = arith.select %le3A, %get3A_770, %rev3A_776 : vector<16xi1>, vector<16xf32>
          %select_n3A_783 = arith.select %le3A, %get3A_772, %rev3A_781 : vector<16xi1>, vector<16xi32>
          %masked_sort3A_784 = arith.constant dense<true> : vector<16xi1>
          %masked_sort3A_785, %masked_sort3A_786, %masked_sort3A_787 = tpu.sort %select_n3A_782, %select_n3A_783 masked %masked_sort3A_784 : (vector<16xf32>, vector<16xi32>, vector<16xi1>) -> (vector<16xi1>, vector<16xf32>, vector<16xi32>)
          %swap3A_788 = arith.constant 0 : index
          %swap3A_789 = tpu.vector_load %arg9[%swap3A_788] {strides = array<i32>} : memref<16xf32, #tpu.memory_space<vmem>>, vector<16xf32>,
          tpu.vector_store %arg9[%swap3A_788], %masked_sort3A_786 {strides = array<i32>} : memref<16xf32, #tpu.memory_space<vmem>>, vector<16xf32>,
          %swap3A_790 = arith.constant 0 : index
          %swap3A_791 = tpu.vector_load %arg10[%swap3A_790] {strides = array<i32>} : memref<16xi32, #tpu.memory_space<vmem>>, vector<16xi32>,
          tpu.vector_store %arg10[%swap3A_790], %masked_sort3A_787 {strides = array<i32>} : memref<16xi32, #tpu.memory_space<vmem>>, vector<16xi32>,
          %slice3A_792 = vector.extract_strided_slice %masked_sort3A_786 {offsets = [15], sizes = [1], strides = [1]} : vector<16xf32> to vector<1xf32>
          %squeeze3A_793 = vector.extract %slice3A_792[0] : f32 from vector<1xf32>
          %swap3A_794 = arith.constant 0 : i32
          %swap3A_795 = arith.index_cast %swap3A_794 : i32 to index
          %swap3A_796 = memref.load %arg13[%swap3A_795] : memref<2xf32, #tpu.memory_space<smem>>
          memref.store %squeeze3A_793, %arg13[%swap3A_795] : memref<2xf32, #tpu.memory_space<smem>>
        } else {
        }
        %mul3A_674 = arith.constant 128 : i32
        %mul3A_675 = arith.muli %scan3A_610, %mul3A_674 : i32
        %add3A_676 = arith.constant 48 : i32
        %add3A_677 = arith.addi %mul3A_675, %add3A_676 : i32
        %get3A_678 = arith.index_cast %add3A_677 : i32 to index
        %get3A_679 = tpu.vector_load %arg7[%get3A_678] {strides = array<i32>} : memref<2048xf32, #tpu.memory_space<vmem>>, vector<16xf32>,
        %reduce_min3A_680 = arith.constant true
        %reduce_min3A_681 = vector.broadcast %reduce_min3A_680 : i1 to vector<16xi1>
        %reduce_min3A_682 = tpu.scan <min>, %get3A_679 masked %reduce_min3A_681 : vector<16xf32>, vector<16xi1> -> vector<16xf32>
        %reduce_min3A_683 = vector.extract %reduce_min3A_682[15] : f32 from vector<16xf32>
        %get3A_684 = arith.constant 0 : i32
        %get3A_685 = arith.index_cast %get3A_684 : i32 to index
        %get3A_686 = memref.load %arg13[%get3A_685] : memref<2xf32, #tpu.memory_space<smem>>
        %lt3A_687 = arith.cmpf olt, %reduce_min3A_683, %get3A_686 : f32
        %convert_element_type3A_688 = arith.extui %lt3A_687 : i1 to i32
        %cond3A_689 = arith.constant 0 : i32
        %cond3A_690 = arith.cmpi ne, %convert_element_type3A_688, %cond3A_689 : i32
        scf.if %cond3A_690 {
          %mul3A_760 = arith.constant 128 : i32
          %mul3A_761 = arith.muli %get3A_613, %mul3A_760 : i32
          %add3A_762 = arith.constant 48 : i32
          %add3A_763 = arith.addi %mul3A_761, %add3A_762 : i32
          %add3A_764 = vector.broadcast %add3A_763 : i32 to vector<16xi32>
          %add3A_765 = arith.addi %iota3A, %add3A_764 : vector<16xi32>
          %masked_sort3A = arith.constant dense<true> : vector<16xi1>
          %masked_sort3A_766, %masked_sort3A_767, %masked_sort3A_768 = tpu.sort %get3A_679, %add3A_765 masked %masked_sort3A : (vector<16xf32>, vector<16xi32>, vector<16xi1>) -> (vector<16xi1>, vector<16xf32>, vector<16xi32>)
          %get3A_769 = arith.constant 0 : index
          %get3A_770 = tpu.vector_load %arg9[%get3A_769] {strides = array<i32>} : memref<16xf32, #tpu.memory_space<vmem>>, vector<16xf32>,
          %get3A_771 = arith.constant 0 : index
          %get3A_772 = tpu.vector_load %arg10[%get3A_771] {strides = array<i32>} : memref<16xi32, #tpu.memory_space<vmem>>, vector<16xi32>,
          %rev3A = arith.constant 15 : i32
          %rev3A_773 = vector.broadcast %rev3A : i32 to vector<16xi32>
          %rev3A_774 = tpu.iota {dimensions = array<i32: 0>} : vector<16xi32>
          %rev3A_775 = arith.subi %rev3A_773, %rev3A_774 : vector<16xi32>
          %rev3A_776 = tpu.dynamic_gather %masked_sort3A_767[%rev3A_775] in [0] : vector<16xf32>, vector<16xi32> -> vector<16xf32>
          %rev3A_777 = arith.constant 15 : i32
          %rev3A_778 = vector.broadcast %rev3A_777 : i32 to vector<16xi32>
          %rev3A_779 = tpu.iota {dimensions = array<i32: 0>} : vector<16xi32>
          %rev3A_780 = arith.subi %rev3A_778, %rev3A_779 : vector<16xi32>
          %rev3A_781 = tpu.dynamic_gather %masked_sort3A_768[%rev3A_780] in [0] : vector<16xi32>, vector<16xi32> -> vector<16xi32>
          %le3A = arith.cmpf ole, %get3A_770, %rev3A_776 : vector<16xf32>
          %select_n3A_782 = arith.select %le3A, %get3A_770, %rev3A_776 : vector<16xi1>, vector<16xf32>
          %select_n3A_783 = arith.select %le3A, %get3A_772, %rev3A_781 : vector<16xi1>, vector<16xi32>
          %masked_sort3A_784 = arith.constant dense<true> : vector<16xi1>
          %masked_sort3A_785, %masked_sort3A_786, %masked_sort3A_787 = tpu.sort %select_n3A_782, %select_n3A_783 masked %masked_sort3A_784 : (vector<16xf32>, vector<16xi32>, vector<16xi1>) -> (vector<16xi1>, vector<16xf32>, vector<16xi32>)
          %swap3A_788 = arith.constant 0 : index
          %swap3A_789 = tpu.vector_load %arg9[%swap3A_788] {strides = array<i32>} : memref<16xf32, #tpu.memory_space<vmem>>, vector<16xf32>,
          tpu.vector_store %arg9[%swap3A_788], %masked_sort3A_786 {strides = array<i32>} : memref<16xf32, #tpu.memory_space<vmem>>, vector<16xf32>,
          %swap3A_790 = arith.constant 0 : index
          %swap3A_791 = tpu.vector_load %arg10[%swap3A_790] {strides = array<i32>} : memref<16xi32, #tpu.memory_space<vmem>>, vector<16xi32>,
          tpu.vector_store %arg10[%swap3A_790], %masked_sort3A_787 {strides = array<i32>} : memref<16xi32, #tpu.memory_space<vmem>>, vector<16xi32>,
          %slice3A_792 = vector.extract_strided_slice %masked_sort3A_786 {offsets = [15], sizes = [1], strides = [1]} : vector<16xf32> to vector<1xf32>
          %squeeze3A_793 = vector.extract %slice3A_792[0] : f32 from vector<1xf32>
          %swap3A_794 = arith.constant 0 : i32
          %swap3A_795 = arith.index_cast %swap3A_794 : i32 to index
          %swap3A_796 = memref.load %arg13[%swap3A_795] : memref<2xf32, #tpu.memory_space<smem>>
          memref.store %squeeze3A_793, %arg13[%swap3A_795] : memref<2xf32, #tpu.memory_space<smem>>
        } else {
        }
        %mul3A_691 = arith.constant 128 : i32
        %mul3A_692 = arith.muli %scan3A_610, %mul3A_691 : i32
        %add3A_693 = arith.constant 64 : i32
        %add3A_694 = arith.addi %mul3A_692, %add3A_693 : i32
        %get3A_695 = arith.index_cast %add3A_694 : i32 to index
        %get3A_696 = tpu.vector_load %arg7[%get3A_695] {strides = array<i32>} : memref<2048xf32, #tpu.memory_space<vmem>>, vector<16xf32>,
        %reduce_min3A_697 = arith.constant true
        %reduce_min3A_698 = vector.broadcast %reduce_min3A_697 : i1 to vector<16xi1>
        %reduce_min3A_699 = tpu.scan <min>, %get3A_696 masked %reduce_min3A_698 : vector<16xf32>, vector<16xi1> -> vector<16xf32>
        %reduce_min3A_700 = vector.extract %reduce_min3A_699[15] : f32 from vector<16xf32>
        %get3A_701 = arith.constant 0 : i32
        %get3A_702 = arith.index_cast %get3A_701 : i32 to index
        %get3A_703 = memref.load %arg13[%get3A_702] : memref<2xf32, #tpu.memory_space<smem>>
        %lt3A_704 = arith.cmpf olt, %reduce_min3A_700, %get3A_703 : f32
        %convert_element_type3A_705 = arith.extui %lt3A_704 : i1 to i32
        %cond3A_706 = arith.constant 0 : i32
        %cond3A_707 = arith.cmpi ne, %convert_element_type3A_705, %cond3A_706 : i32
        scf.if %cond3A_707 {
          %mul3A_760 = arith.constant 128 : i32
          %mul3A_761 = arith.muli %get3A_613, %mul3A_760 : i32
          %add3A_762 = arith.constant 64 : i32
          %add3A_763 = arith.addi %mul3A_761, %add3A_762 : i32
          %add3A_764 = vector.broadcast %add3A_763 : i32 to vector<16xi32>
          %add3A_765 = arith.addi %iota3A, %add3A_764 : vector<16xi32>
          %masked_sort3A = arith.constant dense<true> : vector<16xi1>
          %masked_sort3A_766, %masked_sort3A_767, %masked_sort3A_768 = tpu.sort %get3A_696, %add3A_765 masked %masked_sort3A : (vector<16xf32>, vector<16xi32>, vector<16xi1>) -> (vector<16xi1>, vector<16xf32>, vector<16xi32>)
          %get3A_769 = arith.constant 0 : index
          %get3A_770 = tpu.vector_load %arg9[%get3A_769] {strides = array<i32>} : memref<16xf32, #tpu.memory_space<vmem>>, vector<16xf32>,
          %get3A_771 = arith.constant 0 : index
          %get3A_772 = tpu.vector_load %arg10[%get3A_771] {strides = array<i32>} : memref<16xi32, #tpu.memory_space<vmem>>, vector<16xi32>,
          %rev3A = arith.constant 15 : i32
          %rev3A_773 = vector.broadcast %rev3A : i32 to vector<16xi32>
          %rev3A_774 = tpu.iota {dimensions = array<i32: 0>} : vector<16xi32>
          %rev3A_775 = arith.subi %rev3A_773, %rev3A_774 : vector<16xi32>
          %rev3A_776 = tpu.dynamic_gather %masked_sort3A_767[%rev3A_775] in [0] : vector<16xf32>, vector<16xi32> -> vector<16xf32>
          %rev3A_777 = arith.constant 15 : i32
          %rev3A_778 = vector.broadcast %rev3A_777 : i32 to vector<16xi32>
          %rev3A_779 = tpu.iota {dimensions = array<i32: 0>} : vector<16xi32>
          %rev3A_780 = arith.subi %rev3A_778, %rev3A_779 : vector<16xi32>
          %rev3A_781 = tpu.dynamic_gather %masked_sort3A_768[%rev3A_780] in [0] : vector<16xi32>, vector<16xi32> -> vector<16xi32>
          %le3A = arith.cmpf ole, %get3A_770, %rev3A_776 : vector<16xf32>
          %select_n3A_782 = arith.select %le3A, %get3A_770, %rev3A_776 : vector<16xi1>, vector<16xf32>
          %select_n3A_783 = arith.select %le3A, %get3A_772, %rev3A_781 : vector<16xi1>, vector<16xi32>
          %masked_sort3A_784 = arith.constant dense<true> : vector<16xi1>
          %masked_sort3A_785, %masked_sort3A_786, %masked_sort3A_787 = tpu.sort %select_n3A_782, %select_n3A_783 masked %masked_sort3A_784 : (vector<16xf32>, vector<16xi32>, vector<16xi1>) -> (vector<16xi1>, vector<16xf32>, vector<16xi32>)
          %swap3A_788 = arith.constant 0 : index
          %swap3A_789 = tpu.vector_load %arg9[%swap3A_788] {strides = array<i32>} : memref<16xf32, #tpu.memory_space<vmem>>, vector<16xf32>,
          tpu.vector_store %arg9[%swap3A_788], %masked_sort3A_786 {strides = array<i32>} : memref<16xf32, #tpu.memory_space<vmem>>, vector<16xf32>,
          %swap3A_790 = arith.constant 0 : index
          %swap3A_791 = tpu.vector_load %arg10[%swap3A_790] {strides = array<i32>} : memref<16xi32, #tpu.memory_space<vmem>>, vector<16xi32>,
          tpu.vector_store %arg10[%swap3A_790], %masked_sort3A_787 {strides = array<i32>} : memref<16xi32, #tpu.memory_space<vmem>>, vector<16xi32>,
          %slice3A_792 = vector.extract_strided_slice %masked_sort3A_786 {offsets = [15], sizes = [1], strides = [1]} : vector<16xf32> to vector<1xf32>
          %squeeze3A_793 = vector.extract %slice3A_792[0] : f32 from vector<1xf32>
          %swap3A_794 = arith.constant 0 : i32
          %swap3A_795 = arith.index_cast %swap3A_794 : i32 to index
          %swap3A_796 = memref.load %arg13[%swap3A_795] : memref<2xf32, #tpu.memory_space<smem>>
          memref.store %squeeze3A_793, %arg13[%swap3A_795] : memref<2xf32, #tpu.memory_space<smem>>
        } else {
        }
        %mul3A_708 = arith.constant 128 : i32
        %mul3A_709 = arith.muli %scan3A_610, %mul3A_708 : i32
        %add3A_710 = arith.constant 80 : i32
        %add3A_711 = arith.addi %mul3A_709, %add3A_710 : i32
        %get3A_712 = arith.index_cast %add3A_711 : i32 to index
        %get3A_713 = tpu.vector_load %arg7[%get3A_712] {strides = array<i32>} : memref<2048xf32, #tpu.memory_space<vmem>>, vector<16xf32>,
        %reduce_min3A_714 = arith.constant true
        %reduce_min3A_715 = vector.broadcast %reduce_min3A_714 : i1 to vector<16xi1>
        %reduce_min3A_716 = tpu.scan <min>, %get3A_713 masked %reduce_min3A_715 : vector<16xf32>, vector<16xi1> -> vector<16xf32>
        %reduce_min3A_717 = vector.extract %reduce_min3A_716[15] : f32 from vector<16xf32>
        %get3A_718 = arith.constant 0 : i32
        %get3A_719 = arith.index_cast %get3A_718 : i32 to index
        %get3A_720 = memref.load %arg13[%get3A_719] : memref<2xf32, #tpu.memory_space<smem>>
        %lt3A_721 = arith.cmpf olt, %reduce_min3A_717, %get3A_720 : f32
        %convert_element_type3A_722 = arith.extui %lt3A_721 : i1 to i32
        %cond3A_723 = arith.constant 0 : i32
        %cond3A_724 = arith.cmpi ne, %convert_element_type3A_722, %cond3A_723 : i32
        scf.if %cond3A_724 {
          %mul3A_760 = arith.constant 128 : i32
          %mul3A_761 = arith.muli %get3A_613, %mul3A_760 : i32
          %add3A_762 = arith.constant 80 : i32
          %add3A_763 = arith.addi %mul3A_761, %add3A_762 : i32
          %add3A_764 = vector.broadcast %add3A_763 : i32 to vector<16xi32>
          %add3A_765 = arith.addi %iota3A, %add3A_764 : vector<16xi32>
          %masked_sort3A = arith.constant dense<true> : vector<16xi1>
          %masked_sort3A_766, %masked_sort3A_767, %masked_sort3A_768 = tpu.sort %get3A_713, %add3A_765 masked %masked_sort3A : (vector<16xf32>, vector<16xi32>, vector<16xi1>) -> (vector<16xi1>, vector<16xf32>, vector<16xi32>)
          %get3A_769 = arith.constant 0 : index
          %get3A_770 = tpu.vector_load %arg9[%get3A_769] {strides = array<i32>} : memref<16xf32, #tpu.memory_space<vmem>>, vector<16xf32>,
          %get3A_771 = arith.constant 0 : index
          %get3A_772 = tpu.vector_load %arg10[%get3A_771] {strides = array<i32>} : memref<16xi32, #tpu.memory_space<vmem>>, vector<16xi32>,
          %rev3A = arith.constant 15 : i32
          %rev3A_773 = vector.broadcast %rev3A : i32 to vector<16xi32>
          %rev3A_774 = tpu.iota {dimensions = array<i32: 0>} : vector<16xi32>
          %rev3A_775 = arith.subi %rev3A_773, %rev3A_774 : vector<16xi32>
          %rev3A_776 = tpu.dynamic_gather %masked_sort3A_767[%rev3A_775] in [0] : vector<16xf32>, vector<16xi32> -> vector<16xf32>
          %rev3A_777 = arith.constant 15 : i32
          %rev3A_778 = vector.broadcast %rev3A_777 : i32 to vector<16xi32>
          %rev3A_779 = tpu.iota {dimensions = array<i32: 0>} : vector<16xi32>
          %rev3A_780 = arith.subi %rev3A_778, %rev3A_779 : vector<16xi32>
          %rev3A_781 = tpu.dynamic_gather %masked_sort3A_768[%rev3A_780] in [0] : vector<16xi32>, vector<16xi32> -> vector<16xi32>
          %le3A = arith.cmpf ole, %get3A_770, %rev3A_776 : vector<16xf32>
          %select_n3A_782 = arith.select %le3A, %get3A_770, %rev3A_776 : vector<16xi1>, vector<16xf32>
          %select_n3A_783 = arith.select %le3A, %get3A_772, %rev3A_781 : vector<16xi1>, vector<16xi32>
          %masked_sort3A_784 = arith.constant dense<true> : vector<16xi1>
          %masked_sort3A_785, %masked_sort3A_786, %masked_sort3A_787 = tpu.sort %select_n3A_782, %select_n3A_783 masked %masked_sort3A_784 : (vector<16xf32>, vector<16xi32>, vector<16xi1>) -> (vector<16xi1>, vector<16xf32>, vector<16xi32>)
          %swap3A_788 = arith.constant 0 : index
          %swap3A_789 = tpu.vector_load %arg9[%swap3A_788] {strides = array<i32>} : memref<16xf32, #tpu.memory_space<vmem>>, vector<16xf32>,
          tpu.vector_store %arg9[%swap3A_788], %masked_sort3A_786 {strides = array<i32>} : memref<16xf32, #tpu.memory_space<vmem>>, vector<16xf32>,
          %swap3A_790 = arith.constant 0 : index
          %swap3A_791 = tpu.vector_load %arg10[%swap3A_790] {strides = array<i32>} : memref<16xi32, #tpu.memory_space<vmem>>, vector<16xi32>,
          tpu.vector_store %arg10[%swap3A_790], %masked_sort3A_787 {strides = array<i32>} : memref<16xi32, #tpu.memory_space<vmem>>, vector<16xi32>,
          %slice3A_792 = vector.extract_strided_slice %masked_sort3A_786 {offsets = [15], sizes = [1], strides = [1]} : vector<16xf32> to vector<1xf32>
          %squeeze3A_793 = vector.extract %slice3A_792[0] : f32 from vector<1xf32>
          %swap3A_794 = arith.constant 0 : i32
          %swap3A_795 = arith.index_cast %swap3A_794 : i32 to index
          %swap3A_796 = memref.load %arg13[%swap3A_795] : memref<2xf32, #tpu.memory_space<smem>>
          memref.store %squeeze3A_793, %arg13[%swap3A_795] : memref<2xf32, #tpu.memory_space<smem>>
        } else {
        }
        %mul3A_725 = arith.constant 128 : i32
        %mul3A_726 = arith.muli %scan3A_610, %mul3A_725 : i32
        %add3A_727 = arith.constant 96 : i32
        %add3A_728 = arith.addi %mul3A_726, %add3A_727 : i32
        %get3A_729 = arith.index_cast %add3A_728 : i32 to index
        %get3A_730 = tpu.vector_load %arg7[%get3A_729] {strides = array<i32>} : memref<2048xf32, #tpu.memory_space<vmem>>, vector<16xf32>,
        %reduce_min3A_731 = arith.constant true
        %reduce_min3A_732 = vector.broadcast %reduce_min3A_731 : i1 to vector<16xi1>
        %reduce_min3A_733 = tpu.scan <min>, %get3A_730 masked %reduce_min3A_732 : vector<16xf32>, vector<16xi1> -> vector<16xf32>
        %reduce_min3A_734 = vector.extract %reduce_min3A_733[15] : f32 from vector<16xf32>
        %get3A_735 = arith.constant 0 : i32
        %get3A_736 = arith.index_cast %get3A_735 : i32 to index
        %get3A_737 = memref.load %arg13[%get3A_736] : memref<2xf32, #tpu.memory_space<smem>>
        %lt3A_738 = arith.cmpf olt, %reduce_min3A_734, %get3A_737 : f32
        %convert_element_type3A_739 = arith.extui %lt3A_738 : i1 to i32
        %cond3A_740 = arith.constant 0 : i32
        %cond3A_741 = arith.cmpi ne, %convert_element_type3A_739, %cond3A_740 : i32
        scf.if %cond3A_741 {
          %mul3A_760 = arith.constant 128 : i32
          %mul3A_761 = arith.muli %get3A_613, %mul3A_760 : i32
          %add3A_762 = arith.constant 96 : i32
          %add3A_763 = arith.addi %mul3A_761, %add3A_762 : i32
          %add3A_764 = vector.broadcast %add3A_763 : i32 to vector<16xi32>
          %add3A_765 = arith.addi %iota3A, %add3A_764 : vector<16xi32>
          %masked_sort3A = arith.constant dense<true> : vector<16xi1>
          %masked_sort3A_766, %masked_sort3A_767, %masked_sort3A_768 = tpu.sort %get3A_730, %add3A_765 masked %masked_sort3A : (vector<16xf32>, vector<16xi32>, vector<16xi1>) -> (vector<16xi1>, vector<16xf32>, vector<16xi32>)
          %get3A_769 = arith.constant 0 : index
          %get3A_770 = tpu.vector_load %arg9[%get3A_769] {strides = array<i32>} : memref<16xf32, #tpu.memory_space<vmem>>, vector<16xf32>,
          %get3A_771 = arith.constant 0 : index
          %get3A_772 = tpu.vector_load %arg10[%get3A_771] {strides = array<i32>} : memref<16xi32, #tpu.memory_space<vmem>>, vector<16xi32>,
          %rev3A = arith.constant 15 : i32
          %rev3A_773 = vector.broadcast %rev3A : i32 to vector<16xi32>
          %rev3A_774 = tpu.iota {dimensions = array<i32: 0>} : vector<16xi32>
          %rev3A_775 = arith.subi %rev3A_773, %rev3A_774 : vector<16xi32>
          %rev3A_776 = tpu.dynamic_gather %masked_sort3A_767[%rev3A_775] in [0] : vector<16xf32>, vector<16xi32> -> vector<16xf32>
          %rev3A_777 = arith.constant 15 : i32
          %rev3A_778 = vector.broadcast %rev3A_777 : i32 to vector<16xi32>
          %rev3A_779 = tpu.iota {dimensions = array<i32: 0>} : vector<16xi32>
          %rev3A_780 = arith.subi %rev3A_778, %rev3A_779 : vector<16xi32>
          %rev3A_781 = tpu.dynamic_gather %masked_sort3A_768[%rev3A_780] in [0] : vector<16xi32>, vector<16xi32> -> vector<16xi32>
          %le3A = arith.cmpf ole, %get3A_770, %rev3A_776 : vector<16xf32>
          %select_n3A_782 = arith.select %le3A, %get3A_770, %rev3A_776 : vector<16xi1>, vector<16xf32>
          %select_n3A_783 = arith.select %le3A, %get3A_772, %rev3A_781 : vector<16xi1>, vector<16xi32>
          %masked_sort3A_784 = arith.constant dense<true> : vector<16xi1>
          %masked_sort3A_785, %masked_sort3A_786, %masked_sort3A_787 = tpu.sort %select_n3A_782, %select_n3A_783 masked %masked_sort3A_784 : (vector<16xf32>, vector<16xi32>, vector<16xi1>) -> (vector<16xi1>, vector<16xf32>, vector<16xi32>)
          %swap3A_788 = arith.constant 0 : index
          %swap3A_789 = tpu.vector_load %arg9[%swap3A_788] {strides = array<i32>} : memref<16xf32, #tpu.memory_space<vmem>>, vector<16xf32>,
          tpu.vector_store %arg9[%swap3A_788], %masked_sort3A_786 {strides = array<i32>} : memref<16xf32, #tpu.memory_space<vmem>>, vector<16xf32>,
          %swap3A_790 = arith.constant 0 : index
          %swap3A_791 = tpu.vector_load %arg10[%swap3A_790] {strides = array<i32>} : memref<16xi32, #tpu.memory_space<vmem>>, vector<16xi32>,
          tpu.vector_store %arg10[%swap3A_790], %masked_sort3A_787 {strides = array<i32>} : memref<16xi32, #tpu.memory_space<vmem>>, vector<16xi32>,
          %slice3A_792 = vector.extract_strided_slice %masked_sort3A_786 {offsets = [15], sizes = [1], strides = [1]} : vector<16xf32> to vector<1xf32>
          %squeeze3A_793 = vector.extract %slice3A_792[0] : f32 from vector<1xf32>
          %swap3A_794 = arith.constant 0 : i32
          %swap3A_795 = arith.index_cast %swap3A_794 : i32 to index
          %swap3A_796 = memref.load %arg13[%swap3A_795] : memref<2xf32, #tpu.memory_space<smem>>
          memref.store %squeeze3A_793, %arg13[%swap3A_795] : memref<2xf32, #tpu.memory_space<smem>>
        } else {
        }
        %mul3A_742 = arith.constant 128 : i32
        %mul3A_743 = arith.muli %scan3A_610, %mul3A_742 : i32
        %add3A_744 = arith.constant 112 : i32
        %add3A_745 = arith.addi %mul3A_743, %add3A_744 : i32
        %get3A_746 = arith.index_cast %add3A_745 : i32 to index
        %get3A_747 = tpu.vector_load %arg7[%get3A_746] {strides = array<i32>} : memref<2048xf32, #tpu.memory_space<vmem>>, vector<16xf32>,
        %reduce_min3A_748 = arith.constant true
        %reduce_min3A_749 = vector.broadcast %reduce_min3A_748 : i1 to vector<16xi1>
        %reduce_min3A_750 = tpu.scan <min>, %get3A_747 masked %reduce_min3A_749 : vector<16xf32>, vector<16xi1> -> vector<16xf32>
        %reduce_min3A_751 = vector.extract %reduce_min3A_750[15] : f32 from vector<16xf32>
        %get3A_752 = arith.constant 0 : i32
        %get3A_753 = arith.index_cast %get3A_752 : i32 to index
        %get3A_754 = memref.load %arg13[%get3A_753] : memref<2xf32, #tpu.memory_space<smem>>
        %lt3A_755 = arith.cmpf olt, %reduce_min3A_751, %get3A_754 : f32
        %convert_element_type3A_756 = arith.extui %lt3A_755 : i1 to i32
        %cond3A_757 = arith.constant 0 : i32
        %cond3A_758 = arith.cmpi ne, %convert_element_type3A_756, %cond3A_757 : i32
        scf.if %cond3A_758 {
          %mul3A_760 = arith.constant 128 : i32
          %mul3A_761 = arith.muli %get3A_613, %mul3A_760 : i32
          %add3A_762 = arith.constant 112 : i32
          %add3A_763 = arith.addi %mul3A_761, %add3A_762 : i32
          %add3A_764 = vector.broadcast %add3A_763 : i32 to vector<16xi32>
          %add3A_765 = arith.addi %iota3A, %add3A_764 : vector<16xi32>
          %masked_sort3A = arith.constant dense<true> : vector<16xi1>
          %masked_sort3A_766, %masked_sort3A_767, %masked_sort3A_768 = tpu.sort %get3A_747, %add3A_765 masked %masked_sort3A : (vector<16xf32>, vector<16xi32>, vector<16xi1>) -> (vector<16xi1>, vector<16xf32>, vector<16xi32>)
          %get3A_769 = arith.constant 0 : index
          %get3A_770 = tpu.vector_load %arg9[%get3A_769] {strides = array<i32>} : memref<16xf32, #tpu.memory_space<vmem>>, vector<16xf32>,
          %get3A_771 = arith.constant 0 : index
          %get3A_772 = tpu.vector_load %arg10[%get3A_771] {strides = array<i32>} : memref<16xi32, #tpu.memory_space<vmem>>, vector<16xi32>,
          %rev3A = arith.constant 15 : i32
          %rev3A_773 = vector.broadcast %rev3A : i32 to vector<16xi32>
          %rev3A_774 = tpu.iota {dimensions = array<i32: 0>} : vector<16xi32>
          %rev3A_775 = arith.subi %rev3A_773, %rev3A_774 : vector<16xi32>
          %rev3A_776 = tpu.dynamic_gather %masked_sort3A_767[%rev3A_775] in [0] : vector<16xf32>, vector<16xi32> -> vector<16xf32>
          %rev3A_777 = arith.constant 15 : i32
          %rev3A_778 = vector.broadcast %rev3A_777 : i32 to vector<16xi32>
          %rev3A_779 = tpu.iota {dimensions = array<i32: 0>} : vector<16xi32>
          %rev3A_780 = arith.subi %rev3A_778, %rev3A_779 : vector<16xi32>
          %rev3A_781 = tpu.dynamic_gather %masked_sort3A_768[%rev3A_780] in [0] : vector<16xi32>, vector<16xi32> -> vector<16xi32>
          %le3A = arith.cmpf ole, %get3A_770, %rev3A_776 : vector<16xf32>
          %select_n3A_782 = arith.select %le3A, %get3A_770, %rev3A_776 : vector<16xi1>, vector<16xf32>
          %select_n3A_783 = arith.select %le3A, %get3A_772, %rev3A_781 : vector<16xi1>, vector<16xi32>
          %masked_sort3A_784 = arith.constant dense<true> : vector<16xi1>
          %masked_sort3A_785, %masked_sort3A_786, %masked_sort3A_787 = tpu.sort %select_n3A_782, %select_n3A_783 masked %masked_sort3A_784 : (vector<16xf32>, vector<16xi32>, vector<16xi1>) -> (vector<16xi1>, vector<16xf32>, vector<16xi32>)
          %swap3A_788 = arith.constant 0 : index
          %swap3A_789 = tpu.vector_load %arg9[%swap3A_788] {strides = array<i32>} : memref<16xf32, #tpu.memory_space<vmem>>, vector<16xf32>,
          tpu.vector_store %arg9[%swap3A_788], %masked_sort3A_786 {strides = array<i32>} : memref<16xf32, #tpu.memory_space<vmem>>, vector<16xf32>,
          %swap3A_790 = arith.constant 0 : index
          %swap3A_791 = tpu.vector_load %arg10[%swap3A_790] {strides = array<i32>} : memref<16xi32, #tpu.memory_space<vmem>>, vector<16xi32>,
          tpu.vector_store %arg10[%swap3A_790], %masked_sort3A_787 {strides = array<i32>} : memref<16xi32, #tpu.memory_space<vmem>>, vector<16xi32>,
          %slice3A_792 = vector.extract_strided_slice %masked_sort3A_786 {offsets = [15], sizes = [1], strides = [1]} : vector<16xf32> to vector<1xf32>
          %squeeze3A_793 = vector.extract %slice3A_792[0] : f32 from vector<1xf32>
          %swap3A_794 = arith.constant 0 : i32
          %swap3A_795 = arith.index_cast %swap3A_794 : i32 to index
          %swap3A_796 = memref.load %arg13[%swap3A_795] : memref<2xf32, #tpu.memory_space<smem>>
          memref.store %squeeze3A_793, %arg13[%swap3A_795] : memref<2xf32, #tpu.memory_space<smem>>
        } else {
        }
        %scan3A_759 = arith.constant 0 : i32
        scf.yield %scan3A_759 : i32
      }
      %scan3A_426 = arith.constant 16 : i32
      %get3A_427 = arith.constant 0 : index
      %get3A_428 = tpu.vector_load %arg10[%get3A_427] {strides = array<i32>} : memref<16xi32, #tpu.memory_space<vmem>>, vector<16xi32>,
      %gather3A = tpu.vector_load_idx %arg8[%get3A_428] : memref<100352xi32, #tpu.memory_space<vmem>>[vector<16xi32>], vector<16xi32>,
      %broadcast_in_dim3A_429 = arith.constant 0 : i32
      %broadcast_in_dim3A_430 = vector.broadcast %broadcast_in_dim3A_429 : i32 to vector<16xi32>
      %slice3A_431 = vector.extract_strided_slice %gather3A {offsets = [0], sizes = [1], strides = [1]} : vector<16xi32> to vector<1xi32>
      %squeeze3A_432 = vector.extract %slice3A_431[0] : i32 from vector<1xi32>
      %eq3A_433 = vector.broadcast %squeeze3A_432 : i32 to vector<16xi32>
      %eq3A_434 = arith.cmpi eq, %gather3A, %eq3A_433 : vector<16xi32>
      %jit3A = arith.constant 1 : i32
      %jit3A_435 = arith.constant 0 : i32
      %broadcast_in_dim3A_436 = vector.broadcast %jit3A : i32 to vector<16xi32>
      %broadcast_in_dim3A_437 = vector.broadcast %jit3A_435 : i32 to vector<16xi32>
      %select_n3A_438 = arith.select %eq3A_434, %broadcast_in_dim3A_436, %broadcast_in_dim3A_437 : vector<16xi1>, vector<16xi32>
      %add3A_439 = arith.addi %broadcast_in_dim3A_430, %select_n3A_438 : vector<16xi32>
      %slice3A_440 = vector.extract_strided_slice %gather3A {offsets = [1], sizes = [1], strides = [1]} : vector<16xi32> to vector<1xi32>
      %squeeze3A_441 = vector.extract %slice3A_440[0] : i32 from vector<1xi32>
      %eq3A_442 = vector.broadcast %squeeze3A_441 : i32 to vector<16xi32>
      %eq3A_443 = arith.cmpi eq, %gather3A, %eq3A_442 : vector<16xi32>
      %jit3A_444 = arith.constant 1 : i32
      %jit3A_445 = arith.constant 0 : i32
      %broadcast_in_dim3A_446 = vector.broadcast %jit3A_444 : i32 to vector<16xi32>
      %broadcast_in_dim3A_447 = vector.broadcast %jit3A_445 : i32 to vector<16xi32>
      %select_n3A_448 = arith.select %eq3A_443, %broadcast_in_dim3A_446, %broadcast_in_dim3A_447 : vector<16xi1>, vector<16xi32>
      %add3A_449 = arith.addi %add3A_439, %select_n3A_448 : vector<16xi32>
      %slice3A_450 = vector.extract_strided_slice %gather3A {offsets = [2], sizes = [1], strides = [1]} : vector<16xi32> to vector<1xi32>
      %squeeze3A_451 = vector.extract %slice3A_450[0] : i32 from vector<1xi32>
      %eq3A_452 = vector.broadcast %squeeze3A_451 : i32 to vector<16xi32>
      %eq3A_453 = arith.cmpi eq, %gather3A, %eq3A_452 : vector<16xi32>
      %jit3A_454 = arith.constant 1 : i32
      %jit3A_455 = arith.constant 0 : i32
      %broadcast_in_dim3A_456 = vector.broadcast %jit3A_454 : i32 to vector<16xi32>
      %broadcast_in_dim3A_457 = vector.broadcast %jit3A_455 : i32 to vector<16xi32>
      %select_n3A_458 = arith.select %eq3A_453, %broadcast_in_dim3A_456, %broadcast_in_dim3A_457 : vector<16xi1>, vector<16xi32>
      %add3A_459 = arith.addi %add3A_449, %select_n3A_458 : vector<16xi32>
      %slice3A_460 = vector.extract_strided_slice %gather3A {offsets = [3], sizes = [1], strides = [1]} : vector<16xi32> to vector<1xi32>
      %squeeze3A_461 = vector.extract %slice3A_460[0] : i32 from vector<1xi32>
      %eq3A_462 = vector.broadcast %squeeze3A_461 : i32 to vector<16xi32>
      %eq3A_463 = arith.cmpi eq, %gather3A, %eq3A_462 : vector<16xi32>
      %jit3A_464 = arith.constant 1 : i32
      %jit3A_465 = arith.constant 0 : i32
      %broadcast_in_dim3A_466 = vector.broadcast %jit3A_464 : i32 to vector<16xi32>
      %broadcast_in_dim3A_467 = vector.broadcast %jit3A_465 : i32 to vector<16xi32>
      %select_n3A_468 = arith.select %eq3A_463, %broadcast_in_dim3A_466, %broadcast_in_dim3A_467 : vector<16xi1>, vector<16xi32>
      %add3A_469 = arith.addi %add3A_459, %select_n3A_468 : vector<16xi32>
      %slice3A_470 = vector.extract_strided_slice %gather3A {offsets = [4], sizes = [1], strides = [1]} : vector<16xi32> to vector<1xi32>
      %squeeze3A_471 = vector.extract %slice3A_470[0] : i32 from vector<1xi32>
      %eq3A_472 = vector.broadcast %squeeze3A_471 : i32 to vector<16xi32>
      %eq3A_473 = arith.cmpi eq, %gather3A, %eq3A_472 : vector<16xi32>
      %jit3A_474 = arith.constant 1 : i32
      %jit3A_475 = arith.constant 0 : i32
      %broadcast_in_dim3A_476 = vector.broadcast %jit3A_474 : i32 to vector<16xi32>
      %broadcast_in_dim3A_477 = vector.broadcast %jit3A_475 : i32 to vector<16xi32>
      %select_n3A_478 = arith.select %eq3A_473, %broadcast_in_dim3A_476, %broadcast_in_dim3A_477 : vector<16xi1>, vector<16xi32>
      %add3A_479 = arith.addi %add3A_469, %select_n3A_478 : vector<16xi32>
      %slice3A_480 = vector.extract_strided_slice %gather3A {offsets = [5], sizes = [1], strides = [1]} : vector<16xi32> to vector<1xi32>
      %squeeze3A_481 = vector.extract %slice3A_480[0] : i32 from vector<1xi32>
      %eq3A_482 = vector.broadcast %squeeze3A_481 : i32 to vector<16xi32>
      %eq3A_483 = arith.cmpi eq, %gather3A, %eq3A_482 : vector<16xi32>
      %jit3A_484 = arith.constant 1 : i32
      %jit3A_485 = arith.constant 0 : i32
      %broadcast_in_dim3A_486 = vector.broadcast %jit3A_484 : i32 to vector<16xi32>
      %broadcast_in_dim3A_487 = vector.broadcast %jit3A_485 : i32 to vector<16xi32>
      %select_n3A_488 = arith.select %eq3A_483, %broadcast_in_dim3A_486, %broadcast_in_dim3A_487 : vector<16xi1>, vector<16xi32>
      %add3A_489 = arith.addi %add3A_479, %select_n3A_488 : vector<16xi32>
      %slice3A_490 = vector.extract_strided_slice %gather3A {offsets = [6], sizes = [1], strides = [1]} : vector<16xi32> to vector<1xi32>
      %squeeze3A_491 = vector.extract %slice3A_490[0] : i32 from vector<1xi32>
      %eq3A_492 = vector.broadcast %squeeze3A_491 : i32 to vector<16xi32>
      %eq3A_493 = arith.cmpi eq, %gather3A, %eq3A_492 : vector<16xi32>
      %jit3A_494 = arith.constant 1 : i32
      %jit3A_495 = arith.constant 0 : i32
      %broadcast_in_dim3A_496 = vector.broadcast %jit3A_494 : i32 to vector<16xi32>
      %broadcast_in_dim3A_497 = vector.broadcast %jit3A_495 : i32 to vector<16xi32>
      %select_n3A_498 = arith.select %eq3A_493, %broadcast_in_dim3A_496, %broadcast_in_dim3A_497 : vector<16xi1>, vector<16xi32>
      %add3A_499 = arith.addi %add3A_489, %select_n3A_498 : vector<16xi32>
      %slice3A_500 = vector.extract_strided_slice %gather3A {offsets = [7], sizes = [1], strides = [1]} : vector<16xi32> to vector<1xi32>
      %squeeze3A_501 = vector.extract %slice3A_500[0] : i32 from vector<1xi32>
      %eq3A_502 = vector.broadcast %squeeze3A_501 : i32 to vector<16xi32>
      %eq3A_503 = arith.cmpi eq, %gather3A, %eq3A_502 : vector<16xi32>
      %jit3A_504 = arith.constant 1 : i32
      %jit3A_505 = arith.constant 0 : i32
      %broadcast_in_dim3A_506 = vector.broadcast %jit3A_504 : i32 to vector<16xi32>
      %broadcast_in_dim3A_507 = vector.broadcast %jit3A_505 : i32 to vector<16xi32>
      %select_n3A_508 = arith.select %eq3A_503, %broadcast_in_dim3A_506, %broadcast_in_dim3A_507 : vector<16xi1>, vector<16xi32>
      %add3A_509 = arith.addi %add3A_499, %select_n3A_508 : vector<16xi32>
      %slice3A_510 = vector.extract_strided_slice %gather3A {offsets = [8], sizes = [1], strides = [1]} : vector<16xi32> to vector<1xi32>
      %squeeze3A_511 = vector.extract %slice3A_510[0] : i32 from vector<1xi32>
      %eq3A_512 = vector.broadcast %squeeze3A_511 : i32 to vector<16xi32>
      %eq3A_513 = arith.cmpi eq, %gather3A, %eq3A_512 : vector<16xi32>
      %jit3A_514 = arith.constant 1 : i32
      %jit3A_515 = arith.constant 0 : i32
      %broadcast_in_dim3A_516 = vector.broadcast %jit3A_514 : i32 to vector<16xi32>
      %broadcast_in_dim3A_517 = vector.broadcast %jit3A_515 : i32 to vector<16xi32>
      %select_n3A_518 = arith.select %eq3A_513, %broadcast_in_dim3A_516, %broadcast_in_dim3A_517 : vector<16xi1>, vector<16xi32>
      %add3A_519 = arith.addi %add3A_509, %select_n3A_518 : vector<16xi32>
      %slice3A_520 = vector.extract_strided_slice %gather3A {offsets = [9], sizes = [1], strides = [1]} : vector<16xi32> to vector<1xi32>
      %squeeze3A_521 = vector.extract %slice3A_520[0] : i32 from vector<1xi32>
      %eq3A_522 = vector.broadcast %squeeze3A_521 : i32 to vector<16xi32>
      %eq3A_523 = arith.cmpi eq, %gather3A, %eq3A_522 : vector<16xi32>
      %jit3A_524 = arith.constant 1 : i32
      %jit3A_525 = arith.constant 0 : i32
      %broadcast_in_dim3A_526 = vector.broadcast %jit3A_524 : i32 to vector<16xi32>
      %broadcast_in_dim3A_527 = vector.broadcast %jit3A_525 : i32 to vector<16xi32>
      %select_n3A_528 = arith.select %eq3A_523, %broadcast_in_dim3A_526, %broadcast_in_dim3A_527 : vector<16xi1>, vector<16xi32>
      %add3A_529 = arith.addi %add3A_519, %select_n3A_528 : vector<16xi32>
      %slice3A_530 = vector.extract_strided_slice %gather3A {offsets = [10], sizes = [1], strides = [1]} : vector<16xi32> to vector<1xi32>
      %squeeze3A_531 = vector.extract %slice3A_530[0] : i32 from vector<1xi32>
      %eq3A_532 = vector.broadcast %squeeze3A_531 : i32 to vector<16xi32>
      %eq3A_533 = arith.cmpi eq, %gather3A, %eq3A_532 : vector<16xi32>
      %jit3A_534 = arith.constant 1 : i32
      %jit3A_535 = arith.constant 0 : i32
      %broadcast_in_dim3A_536 = vector.broadcast %jit3A_534 : i32 to vector<16xi32>
      %broadcast_in_dim3A_537 = vector.broadcast %jit3A_535 : i32 to vector<16xi32>
      %select_n3A_538 = arith.select %eq3A_533, %broadcast_in_dim3A_536, %broadcast_in_dim3A_537 : vector<16xi1>, vector<16xi32>
      %add3A_539 = arith.addi %add3A_529, %select_n3A_538 : vector<16xi32>
      %slice3A_540 = vector.extract_strided_slice %gather3A {offsets = [11], sizes = [1], strides = [1]} : vector<16xi32> to vector<1xi32>
      %squeeze3A_541 = vector.extract %slice3A_540[0] : i32 from vector<1xi32>
      %eq3A_542 = vector.broadcast %squeeze3A_541 : i32 to vector<16xi32>
      %eq3A_543 = arith.cmpi eq, %gather3A, %eq3A_542 : vector<16xi32>
      %jit3A_544 = arith.constant 1 : i32
      %jit3A_545 = arith.constant 0 : i32
      %broadcast_in_dim3A_546 = vector.broadcast %jit3A_544 : i32 to vector<16xi32>
      %broadcast_in_dim3A_547 = vector.broadcast %jit3A_545 : i32 to vector<16xi32>
      %select_n3A_548 = arith.select %eq3A_543, %broadcast_in_dim3A_546, %broadcast_in_dim3A_547 : vector<16xi1>, vector<16xi32>
      %add3A_549 = arith.addi %add3A_539, %select_n3A_548 : vector<16xi32>
      %slice3A_550 = vector.extract_strided_slice %gather3A {offsets = [12], sizes = [1], strides = [1]} : vector<16xi32> to vector<1xi32>
      %squeeze3A_551 = vector.extract %slice3A_550[0] : i32 from vector<1xi32>
      %eq3A_552 = vector.broadcast %squeeze3A_551 : i32 to vector<16xi32>
      %eq3A_553 = arith.cmpi eq, %gather3A, %eq3A_552 : vector<16xi32>
      %jit3A_554 = arith.constant 1 : i32
      %jit3A_555 = arith.constant 0 : i32
      %broadcast_in_dim3A_556 = vector.broadcast %jit3A_554 : i32 to vector<16xi32>
      %broadcast_in_dim3A_557 = vector.broadcast %jit3A_555 : i32 to vector<16xi32>
      %select_n3A_558 = arith.select %eq3A_553, %broadcast_in_dim3A_556, %broadcast_in_dim3A_557 : vector<16xi1>, vector<16xi32>
      %add3A_559 = arith.addi %add3A_549, %select_n3A_558 : vector<16xi32>
      %slice3A_560 = vector.extract_strided_slice %gather3A {offsets = [13], sizes = [1], strides = [1]} : vector<16xi32> to vector<1xi32>
      %squeeze3A_561 = vector.extract %slice3A_560[0] : i32 from vector<1xi32>
      %eq3A_562 = vector.broadcast %squeeze3A_561 : i32 to vector<16xi32>
      %eq3A_563 = arith.cmpi eq, %gather3A, %eq3A_562 : vector<16xi32>
      %jit3A_564 = arith.constant 1 : i32
      %jit3A_565 = arith.constant 0 : i32
      %broadcast_in_dim3A_566 = vector.broadcast %jit3A_564 : i32 to vector<16xi32>
      %broadcast_in_dim3A_567 = vector.broadcast %jit3A_565 : i32 to vector<16xi32>
      %select_n3A_568 = arith.select %eq3A_563, %broadcast_in_dim3A_566, %broadcast_in_dim3A_567 : vector<16xi1>, vector<16xi32>
      %add3A_569 = arith.addi %add3A_559, %select_n3A_568 : vector<16xi32>
      %slice3A_570 = vector.extract_strided_slice %gather3A {offsets = [14], sizes = [1], strides = [1]} : vector<16xi32> to vector<1xi32>
      %squeeze3A_571 = vector.extract %slice3A_570[0] : i32 from vector<1xi32>
      %eq3A_572 = vector.broadcast %squeeze3A_571 : i32 to vector<16xi32>
      %eq3A_573 = arith.cmpi eq, %gather3A, %eq3A_572 : vector<16xi32>
      %jit3A_574 = arith.constant 1 : i32
      %jit3A_575 = arith.constant 0 : i32
      %broadcast_in_dim3A_576 = vector.broadcast %jit3A_574 : i32 to vector<16xi32>
      %broadcast_in_dim3A_577 = vector.broadcast %jit3A_575 : i32 to vector<16xi32>
      %select_n3A_578 = arith.select %eq3A_573, %broadcast_in_dim3A_576, %broadcast_in_dim3A_577 : vector<16xi1>, vector<16xi32>
      %add3A_579 = arith.addi %add3A_569, %select_n3A_578 : vector<16xi32>
      %slice3A_580 = vector.extract_strided_slice %gather3A {offsets = [15], sizes = [1], strides = [1]} : vector<16xi32> to vector<1xi32>
      %squeeze3A_581 = vector.extract %slice3A_580[0] : i32 from vector<1xi32>
      %eq3A_582 = vector.broadcast %squeeze3A_581 : i32 to vector<16xi32>
      %eq3A_583 = arith.cmpi eq, %gather3A, %eq3A_582 : vector<16xi32>
      %jit3A_584 = arith.constant 1 : i32
      %jit3A_585 = arith.constant 0 : i32
      %broadcast_in_dim3A_586 = vector.broadcast %jit3A_584 : i32 to vector<16xi32>
      %broadcast_in_dim3A_587 = vector.broadcast %jit3A_585 : i32 to vector<16xi32>
      %select_n3A_588 = arith.select %eq3A_583, %broadcast_in_dim3A_586, %broadcast_in_dim3A_587 : vector<16xi1>, vector<16xi32>
      %add3A_589 = arith.addi %add3A_579, %select_n3A_588 : vector<16xi32>
      %mul3A_590 = arith.constant 128 : i32
      %mul3A_591 = vector.broadcast %mul3A_590 : i32 to vector<16xi32>
      %mul3A_592 = arith.muli %add3A_589, %mul3A_591 : vector<16xi32>
      %sub3A = arith.constant 127 : i32
      %sub3A_593 = vector.broadcast %sub3A : i32 to vector<16xi32>
      %sub3A_594 = arith.subi %sub3A_593, %gather3A : vector<16xi32>
      %add3A_595 = arith.addi %mul3A_592, %sub3A_594 : vector<16xi32>
      %reduce_max3A = arith.constant true
      %reduce_max3A_596 = vector.broadcast %reduce_max3A : i1 to vector<16xi1>
      %reduce_max3A_597 = arith.constant -2147483648 : i32
      %reduce_max3A_598 = vector.broadcast %reduce_max3A_597 : i32 to vector<16xi32>
      %reduce_max3A_599 = arith.xori %add3A_595, %reduce_max3A_598 : vector<16xi32>
      %reduce_max3A_600 = tpu.scan <max>, %reduce_max3A_599 masked %reduce_max3A_596 : vector<16xi32>, vector<16xi1> -> vector<16xi32>
      %reduce_max3A_601 = arith.xori %reduce_max3A_600, %reduce_max3A_598 : vector<16xi32>
      %reduce_max3A_602 = vector.extract %reduce_max3A_601[15] : i32 from vector<16xi32>
      %rem3A_603 = arith.constant 128 : i32
      %rem3A_604 = arith.remsi %reduce_max3A_602, %rem3A_603 : i32
      %sub3A_605 = arith.constant 127 : i32
      %sub3A_606 = arith.subi %sub3A_605, %rem3A_604 : i32
      %swap3A_607 = arith.index_cast %scan3A_284 : i32 to index
      %swap3A_608 = memref.load %arg11[%swap3A_607] : memref<32xi32, #tpu.memory_space<smem>>
      memref.store %sub3A_606, %arg11[%swap3A_607] : memref<32xi32, #tpu.memory_space<smem>>
      %scan3A_609 = arith.constant 0 : i32
      scf.yield %scan3A_609 : i32
    }
    %scan3A_23 = arith.constant 32 : i32
    %broadcast_in_dim3A_24 = arith.constant 0 : i32
    %broadcast_in_dim3A_25 = vector.broadcast %broadcast_in_dim3A_24 : i32 to vector<16xi32>
    %eq3A = arith.constant 0 : i32
    %eq3A_26 = vector.broadcast %eq3A : i32 to vector<16xi32>
    %eq3A_27 = arith.cmpi eq, %iota3A, %eq3A_26 : vector<16xi32>
    %get3A = arith.constant 0 : i32
    %get3A_28 = arith.index_cast %get3A : i32 to index
    %get3A_29 = memref.load %arg11[%get3A_28] : memref<32xi32, #tpu.memory_space<smem>>
    %broadcast_in_dim3A_30 = vector.broadcast %get3A_29 : i32 to vector<16xi32>
    %select_n3A = arith.select %eq3A_27, %broadcast_in_dim3A_30, %broadcast_in_dim3A_25 : vector<16xi1>, vector<16xi32>
    %eq3A_31 = arith.constant 1 : i32
    %eq3A_32 = vector.broadcast %eq3A_31 : i32 to vector<16xi32>
    %eq3A_33 = arith.cmpi eq, %iota3A, %eq3A_32 : vector<16xi32>
    %get3A_34 = arith.constant 1 : i32
    %get3A_35 = arith.index_cast %get3A_34 : i32 to index
    %get3A_36 = memref.load %arg11[%get3A_35] : memref<32xi32, #tpu.memory_space<smem>>
    %broadcast_in_dim3A_37 = vector.broadcast %get3A_36 : i32 to vector<16xi32>
    %select_n3A_38 = arith.select %eq3A_33, %broadcast_in_dim3A_37, %select_n3A : vector<16xi1>, vector<16xi32>
    %eq3A_39 = arith.constant 2 : i32
    %eq3A_40 = vector.broadcast %eq3A_39 : i32 to vector<16xi32>
    %eq3A_41 = arith.cmpi eq, %iota3A, %eq3A_40 : vector<16xi32>
    %get3A_42 = arith.constant 2 : i32
    %get3A_43 = arith.index_cast %get3A_42 : i32 to index
    %get3A_44 = memref.load %arg11[%get3A_43] : memref<32xi32, #tpu.memory_space<smem>>
    %broadcast_in_dim3A_45 = vector.broadcast %get3A_44 : i32 to vector<16xi32>
    %select_n3A_46 = arith.select %eq3A_41, %broadcast_in_dim3A_45, %select_n3A_38 : vector<16xi1>, vector<16xi32>
    %eq3A_47 = arith.constant 3 : i32
    %eq3A_48 = vector.broadcast %eq3A_47 : i32 to vector<16xi32>
    %eq3A_49 = arith.cmpi eq, %iota3A, %eq3A_48 : vector<16xi32>
    %get3A_50 = arith.constant 3 : i32
    %get3A_51 = arith.index_cast %get3A_50 : i32 to index
    %get3A_52 = memref.load %arg11[%get3A_51] : memref<32xi32, #tpu.memory_space<smem>>
    %broadcast_in_dim3A_53 = vector.broadcast %get3A_52 : i32 to vector<16xi32>
    %select_n3A_54 = arith.select %eq3A_49, %broadcast_in_dim3A_53, %select_n3A_46 : vector<16xi1>, vector<16xi32>
    %eq3A_55 = arith.constant 4 : i32
    %eq3A_56 = vector.broadcast %eq3A_55 : i32 to vector<16xi32>
    %eq3A_57 = arith.cmpi eq, %iota3A, %eq3A_56 : vector<16xi32>
    %get3A_58 = arith.constant 4 : i32
    %get3A_59 = arith.index_cast %get3A_58 : i32 to index
    %get3A_60 = memref.load %arg11[%get3A_59] : memref<32xi32, #tpu.memory_space<smem>>
    %broadcast_in_dim3A_61 = vector.broadcast %get3A_60 : i32 to vector<16xi32>
    %select_n3A_62 = arith.select %eq3A_57, %broadcast_in_dim3A_61, %select_n3A_54 : vector<16xi1>, vector<16xi32>
    %eq3A_63 = arith.constant 5 : i32
    %eq3A_64 = vector.broadcast %eq3A_63 : i32 to vector<16xi32>
    %eq3A_65 = arith.cmpi eq, %iota3A, %eq3A_64 : vector<16xi32>
    %get3A_66 = arith.constant 5 : i32
    %get3A_67 = arith.index_cast %get3A_66 : i32 to index
    %get3A_68 = memref.load %arg11[%get3A_67] : memref<32xi32, #tpu.memory_space<smem>>
    %broadcast_in_dim3A_69 = vector.broadcast %get3A_68 : i32 to vector<16xi32>
    %select_n3A_70 = arith.select %eq3A_65, %broadcast_in_dim3A_69, %select_n3A_62 : vector<16xi1>, vector<16xi32>
    %eq3A_71 = arith.constant 6 : i32
    %eq3A_72 = vector.broadcast %eq3A_71 : i32 to vector<16xi32>
    %eq3A_73 = arith.cmpi eq, %iota3A, %eq3A_72 : vector<16xi32>
    %get3A_74 = arith.constant 6 : i32
    %get3A_75 = arith.index_cast %get3A_74 : i32 to index
    %get3A_76 = memref.load %arg11[%get3A_75] : memref<32xi32, #tpu.memory_space<smem>>
    %broadcast_in_dim3A_77 = vector.broadcast %get3A_76 : i32 to vector<16xi32>
    %select_n3A_78 = arith.select %eq3A_73, %broadcast_in_dim3A_77, %select_n3A_70 : vector<16xi1>, vector<16xi32>
    %eq3A_79 = arith.constant 7 : i32
    %eq3A_80 = vector.broadcast %eq3A_79 : i32 to vector<16xi32>
    %eq3A_81 = arith.cmpi eq, %iota3A, %eq3A_80 : vector<16xi32>
    %get3A_82 = arith.constant 7 : i32
    %get3A_83 = arith.index_cast %get3A_82 : i32 to index
    %get3A_84 = memref.load %arg11[%get3A_83] : memref<32xi32, #tpu.memory_space<smem>>
    %broadcast_in_dim3A_85 = vector.broadcast %get3A_84 : i32 to vector<16xi32>
    %select_n3A_86 = arith.select %eq3A_81, %broadcast_in_dim3A_85, %select_n3A_78 : vector<16xi1>, vector<16xi32>
    %eq3A_87 = arith.constant 8 : i32
    %eq3A_88 = vector.broadcast %eq3A_87 : i32 to vector<16xi32>
    %eq3A_89 = arith.cmpi eq, %iota3A, %eq3A_88 : vector<16xi32>
    %get3A_90 = arith.constant 8 : i32
    %get3A_91 = arith.index_cast %get3A_90 : i32 to index
    %get3A_92 = memref.load %arg11[%get3A_91] : memref<32xi32, #tpu.memory_space<smem>>
    %broadcast_in_dim3A_93 = vector.broadcast %get3A_92 : i32 to vector<16xi32>
    %select_n3A_94 = arith.select %eq3A_89, %broadcast_in_dim3A_93, %select_n3A_86 : vector<16xi1>, vector<16xi32>
    %eq3A_95 = arith.constant 9 : i32
    %eq3A_96 = vector.broadcast %eq3A_95 : i32 to vector<16xi32>
    %eq3A_97 = arith.cmpi eq, %iota3A, %eq3A_96 : vector<16xi32>
    %get3A_98 = arith.constant 9 : i32
    %get3A_99 = arith.index_cast %get3A_98 : i32 to index
    %get3A_100 = memref.load %arg11[%get3A_99] : memref<32xi32, #tpu.memory_space<smem>>
    %broadcast_in_dim3A_101 = vector.broadcast %get3A_100 : i32 to vector<16xi32>
    %select_n3A_102 = arith.select %eq3A_97, %broadcast_in_dim3A_101, %select_n3A_94 : vector<16xi1>, vector<16xi32>
    %eq3A_103 = arith.constant 10 : i32
    %eq3A_104 = vector.broadcast %eq3A_103 : i32 to vector<16xi32>
    %eq3A_105 = arith.cmpi eq, %iota3A, %eq3A_104 : vector<16xi32>
    %get3A_106 = arith.constant 10 : i32
    %get3A_107 = arith.index_cast %get3A_106 : i32 to index
    %get3A_108 = memref.load %arg11[%get3A_107] : memref<32xi32, #tpu.memory_space<smem>>
    %broadcast_in_dim3A_109 = vector.broadcast %get3A_108 : i32 to vector<16xi32>
    %select_n3A_110 = arith.select %eq3A_105, %broadcast_in_dim3A_109, %select_n3A_102 : vector<16xi1>, vector<16xi32>
    %eq3A_111 = arith.constant 11 : i32
    %eq3A_112 = vector.broadcast %eq3A_111 : i32 to vector<16xi32>
    %eq3A_113 = arith.cmpi eq, %iota3A, %eq3A_112 : vector<16xi32>
    %get3A_114 = arith.constant 11 : i32
    %get3A_115 = arith.index_cast %get3A_114 : i32 to index
    %get3A_116 = memref.load %arg11[%get3A_115] : memref<32xi32, #tpu.memory_space<smem>>
    %broadcast_in_dim3A_117 = vector.broadcast %get3A_116 : i32 to vector<16xi32>
    %select_n3A_118 = arith.select %eq3A_113, %broadcast_in_dim3A_117, %select_n3A_110 : vector<16xi1>, vector<16xi32>
    %eq3A_119 = arith.constant 12 : i32
    %eq3A_120 = vector.broadcast %eq3A_119 : i32 to vector<16xi32>
    %eq3A_121 = arith.cmpi eq, %iota3A, %eq3A_120 : vector<16xi32>
    %get3A_122 = arith.constant 12 : i32
    %get3A_123 = arith.index_cast %get3A_122 : i32 to index
    %get3A_124 = memref.load %arg11[%get3A_123] : memref<32xi32, #tpu.memory_space<smem>>
    %broadcast_in_dim3A_125 = vector.broadcast %get3A_124 : i32 to vector<16xi32>
    %select_n3A_126 = arith.select %eq3A_121, %broadcast_in_dim3A_125, %select_n3A_118 : vector<16xi1>, vector<16xi32>
    %eq3A_127 = arith.constant 13 : i32
    %eq3A_128 = vector.broadcast %eq3A_127 : i32 to vector<16xi32>
    %eq3A_129 = arith.cmpi eq, %iota3A, %eq3A_128 : vector<16xi32>
    %get3A_130 = arith.constant 13 : i32
    %get3A_131 = arith.index_cast %get3A_130 : i32 to index
    %get3A_132 = memref.load %arg11[%get3A_131] : memref<32xi32, #tpu.memory_space<smem>>
    %broadcast_in_dim3A_133 = vector.broadcast %get3A_132 : i32 to vector<16xi32>
    %select_n3A_134 = arith.select %eq3A_129, %broadcast_in_dim3A_133, %select_n3A_126 : vector<16xi1>, vector<16xi32>
    %eq3A_135 = arith.constant 14 : i32
    %eq3A_136 = vector.broadcast %eq3A_135 : i32 to vector<16xi32>
    %eq3A_137 = arith.cmpi eq, %iota3A, %eq3A_136 : vector<16xi32>
    %get3A_138 = arith.constant 14 : i32
    %get3A_139 = arith.index_cast %get3A_138 : i32 to index
    %get3A_140 = memref.load %arg11[%get3A_139] : memref<32xi32, #tpu.memory_space<smem>>
    %broadcast_in_dim3A_141 = vector.broadcast %get3A_140 : i32 to vector<16xi32>
    %select_n3A_142 = arith.select %eq3A_137, %broadcast_in_dim3A_141, %select_n3A_134 : vector<16xi1>, vector<16xi32>
    %eq3A_143 = arith.constant 15 : i32
    %eq3A_144 = vector.broadcast %eq3A_143 : i32 to vector<16xi32>
    %eq3A_145 = arith.cmpi eq, %iota3A, %eq3A_144 : vector<16xi32>
    %get3A_146 = arith.constant 15 : i32
    %get3A_147 = arith.index_cast %get3A_146 : i32 to index
    %get3A_148 = memref.load %arg11[%get3A_147] : memref<32xi32, #tpu.memory_space<smem>>
    %broadcast_in_dim3A_149 = vector.broadcast %get3A_148 : i32 to vector<16xi32>
    %select_n3A_150 = arith.select %eq3A_145, %broadcast_in_dim3A_149, %select_n3A_142 : vector<16xi1>, vector<16xi32>
    %swap3A = arith.constant 0 : index
    %swap3A_151 = tpu.vector_load %arg14[%swap3A] {strides = array<i32>} : memref<32xi32, #tpu.memory_space<vmem>>, vector<16xi32>,
    tpu.vector_store %arg14[%swap3A], %select_n3A_150 {strides = array<i32>} : memref<32xi32, #tpu.memory_space<vmem>>, vector<16xi32>,
    %broadcast_in_dim3A_152 = arith.constant 0 : i32
    %broadcast_in_dim3A_153 = vector.broadcast %broadcast_in_dim3A_152 : i32 to vector<16xi32>
    %eq3A_154 = arith.constant 0 : i32
    %eq3A_155 = vector.broadcast %eq3A_154 : i32 to vector<16xi32>
    %eq3A_156 = arith.cmpi eq, %iota3A, %eq3A_155 : vector<16xi32>
    %get3A_157 = arith.constant 16 : i32
    %get3A_158 = arith.index_cast %get3A_157 : i32 to index
    %get3A_159 = memref.load %arg11[%get3A_158] : memref<32xi32, #tpu.memory_space<smem>>
    %broadcast_in_dim3A_160 = vector.broadcast %get3A_159 : i32 to vector<16xi32>
    %select_n3A_161 = arith.select %eq3A_156, %broadcast_in_dim3A_160, %broadcast_in_dim3A_153 : vector<16xi1>, vector<16xi32>
    %eq3A_162 = arith.constant 1 : i32
    %eq3A_163 = vector.broadcast %eq3A_162 : i32 to vector<16xi32>
    %eq3A_164 = arith.cmpi eq, %iota3A, %eq3A_163 : vector<16xi32>
    %get3A_165 = arith.constant 17 : i32
    %get3A_166 = arith.index_cast %get3A_165 : i32 to index
    %get3A_167 = memref.load %arg11[%get3A_166] : memref<32xi32, #tpu.memory_space<smem>>
    %broadcast_in_dim3A_168 = vector.broadcast %get3A_167 : i32 to vector<16xi32>
    %select_n3A_169 = arith.select %eq3A_164, %broadcast_in_dim3A_168, %select_n3A_161 : vector<16xi1>, vector<16xi32>
    %eq3A_170 = arith.constant 2 : i32
    %eq3A_171 = vector.broadcast %eq3A_170 : i32 to vector<16xi32>
    %eq3A_172 = arith.cmpi eq, %iota3A, %eq3A_171 : vector<16xi32>
    %get3A_173 = arith.constant 18 : i32
    %get3A_174 = arith.index_cast %get3A_173 : i32 to index
    %get3A_175 = memref.load %arg11[%get3A_174] : memref<32xi32, #tpu.memory_space<smem>>
    %broadcast_in_dim3A_176 = vector.broadcast %get3A_175 : i32 to vector<16xi32>
    %select_n3A_177 = arith.select %eq3A_172, %broadcast_in_dim3A_176, %select_n3A_169 : vector<16xi1>, vector<16xi32>
    %eq3A_178 = arith.constant 3 : i32
    %eq3A_179 = vector.broadcast %eq3A_178 : i32 to vector<16xi32>
    %eq3A_180 = arith.cmpi eq, %iota3A, %eq3A_179 : vector<16xi32>
    %get3A_181 = arith.constant 19 : i32
    %get3A_182 = arith.index_cast %get3A_181 : i32 to index
    %get3A_183 = memref.load %arg11[%get3A_182] : memref<32xi32, #tpu.memory_space<smem>>
    %broadcast_in_dim3A_184 = vector.broadcast %get3A_183 : i32 to vector<16xi32>
    %select_n3A_185 = arith.select %eq3A_180, %broadcast_in_dim3A_184, %select_n3A_177 : vector<16xi1>, vector<16xi32>
    %eq3A_186 = arith.constant 4 : i32
    %eq3A_187 = vector.broadcast %eq3A_186 : i32 to vector<16xi32>
    %eq3A_188 = arith.cmpi eq, %iota3A, %eq3A_187 : vector<16xi32>
    %get3A_189 = arith.constant 20 : i32
    %get3A_190 = arith.index_cast %get3A_189 : i32 to index
    %get3A_191 = memref.load %arg11[%get3A_190] : memref<32xi32, #tpu.memory_space<smem>>
    %broadcast_in_dim3A_192 = vector.broadcast %get3A_191 : i32 to vector<16xi32>
    %select_n3A_193 = arith.select %eq3A_188, %broadcast_in_dim3A_192, %select_n3A_185 : vector<16xi1>, vector<16xi32>
    %eq3A_194 = arith.constant 5 : i32
    %eq3A_195 = vector.broadcast %eq3A_194 : i32 to vector<16xi32>
    %eq3A_196 = arith.cmpi eq, %iota3A, %eq3A_195 : vector<16xi32>
    %get3A_197 = arith.constant 21 : i32
    %get3A_198 = arith.index_cast %get3A_197 : i32 to index
    %get3A_199 = memref.load %arg11[%get3A_198] : memref<32xi32, #tpu.memory_space<smem>>
    %broadcast_in_dim3A_200 = vector.broadcast %get3A_199 : i32 to vector<16xi32>
    %select_n3A_201 = arith.select %eq3A_196, %broadcast_in_dim3A_200, %select_n3A_193 : vector<16xi1>, vector<16xi32>
    %eq3A_202 = arith.constant 6 : i32
    %eq3A_203 = vector.broadcast %eq3A_202 : i32 to vector<16xi32>
    %eq3A_204 = arith.cmpi eq, %iota3A, %eq3A_203 : vector<16xi32>
    %get3A_205 = arith.constant 22 : i32
    %get3A_206 = arith.index_cast %get3A_205 : i32 to index
    %get3A_207 = memref.load %arg11[%get3A_206] : memref<32xi32, #tpu.memory_space<smem>>
    %broadcast_in_dim3A_208 = vector.broadcast %get3A_207 : i32 to vector<16xi32>
    %select_n3A_209 = arith.select %eq3A_204, %broadcast_in_dim3A_208, %select_n3A_201 : vector<16xi1>, vector<16xi32>
    %eq3A_210 = arith.constant 7 : i32
    %eq3A_211 = vector.broadcast %eq3A_210 : i32 to vector<16xi32>
    %eq3A_212 = arith.cmpi eq, %iota3A, %eq3A_211 : vector<16xi32>
    %get3A_213 = arith.constant 23 : i32
    %get3A_214 = arith.index_cast %get3A_213 : i32 to index
    %get3A_215 = memref.load %arg11[%get3A_214] : memref<32xi32, #tpu.memory_space<smem>>
    %broadcast_in_dim3A_216 = vector.broadcast %get3A_215 : i32 to vector<16xi32>
    %select_n3A_217 = arith.select %eq3A_212, %broadcast_in_dim3A_216, %select_n3A_209 : vector<16xi1>, vector<16xi32>
    %eq3A_218 = arith.constant 8 : i32
    %eq3A_219 = vector.broadcast %eq3A_218 : i32 to vector<16xi32>
    %eq3A_220 = arith.cmpi eq, %iota3A, %eq3A_219 : vector<16xi32>
    %get3A_221 = arith.constant 24 : i32
    %get3A_222 = arith.index_cast %get3A_221 : i32 to index
    %get3A_223 = memref.load %arg11[%get3A_222] : memref<32xi32, #tpu.memory_space<smem>>
    %broadcast_in_dim3A_224 = vector.broadcast %get3A_223 : i32 to vector<16xi32>
    %select_n3A_225 = arith.select %eq3A_220, %broadcast_in_dim3A_224, %select_n3A_217 : vector<16xi1>, vector<16xi32>
    %eq3A_226 = arith.constant 9 : i32
    %eq3A_227 = vector.broadcast %eq3A_226 : i32 to vector<16xi32>
    %eq3A_228 = arith.cmpi eq, %iota3A, %eq3A_227 : vector<16xi32>
    %get3A_229 = arith.constant 25 : i32
    %get3A_230 = arith.index_cast %get3A_229 : i32 to index
    %get3A_231 = memref.load %arg11[%get3A_230] : memref<32xi32, #tpu.memory_space<smem>>
    %broadcast_in_dim3A_232 = vector.broadcast %get3A_231 : i32 to vector<16xi32>
    %select_n3A_233 = arith.select %eq3A_228, %broadcast_in_dim3A_232, %select_n3A_225 : vector<16xi1>, vector<16xi32>
    %eq3A_234 = arith.constant 10 : i32
    %eq3A_235 = vector.broadcast %eq3A_234 : i32 to vector<16xi32>
    %eq3A_236 = arith.cmpi eq, %iota3A, %eq3A_235 : vector<16xi32>
    %get3A_237 = arith.constant 26 : i32
    %get3A_238 = arith.index_cast %get3A_237 : i32 to index
    %get3A_239 = memref.load %arg11[%get3A_238] : memref<32xi32, #tpu.memory_space<smem>>
    %broadcast_in_dim3A_240 = vector.broadcast %get3A_239 : i32 to vector<16xi32>
    %select_n3A_241 = arith.select %eq3A_236, %broadcast_in_dim3A_240, %select_n3A_233 : vector<16xi1>, vector<16xi32>
    %eq3A_242 = arith.constant 11 : i32
    %eq3A_243 = vector.broadcast %eq3A_242 : i32 to vector<16xi32>
    %eq3A_244 = arith.cmpi eq, %iota3A, %eq3A_243 : vector<16xi32>
    %get3A_245 = arith.constant 27 : i32
    %get3A_246 = arith.index_cast %get3A_245 : i32 to index
    %get3A_247 = memref.load %arg11[%get3A_246] : memref<32xi32, #tpu.memory_space<smem>>
    %broadcast_in_dim3A_248 = vector.broadcast %get3A_247 : i32 to vector<16xi32>
    %select_n3A_249 = arith.select %eq3A_244, %broadcast_in_dim3A_248, %select_n3A_241 : vector<16xi1>, vector<16xi32>
    %eq3A_250 = arith.constant 12 : i32
    %eq3A_251 = vector.broadcast %eq3A_250 : i32 to vector<16xi32>
    %eq3A_252 = arith.cmpi eq, %iota3A, %eq3A_251 : vector<16xi32>
    %get3A_253 = arith.constant 28 : i32
    %get3A_254 = arith.index_cast %get3A_253 : i32 to index
    %get3A_255 = memref.load %arg11[%get3A_254] : memref<32xi32, #tpu.memory_space<smem>>
    %broadcast_in_dim3A_256 = vector.broadcast %get3A_255 : i32 to vector<16xi32>
    %select_n3A_257 = arith.select %eq3A_252, %broadcast_in_dim3A_256, %select_n3A_249 : vector<16xi1>, vector<16xi32>
    %eq3A_258 = arith.constant 13 : i32
    %eq3A_259 = vector.broadcast %eq3A_258 : i32 to vector<16xi32>
    %eq3A_260 = arith.cmpi eq, %iota3A, %eq3A_259 : vector<16xi32>
    %get3A_261 = arith.constant 29 : i32
    %get3A_262 = arith.index_cast %get3A_261 : i32 to index
    %get3A_263 = memref.load %arg11[%get3A_262] : memref<32xi32, #tpu.memory_space<smem>>
    %broadcast_in_dim3A_264 = vector.broadcast %get3A_263 : i32 to vector<16xi32>
    %select_n3A_265 = arith.select %eq3A_260, %broadcast_in_dim3A_264, %select_n3A_257 : vector<16xi1>, vector<16xi32>
    %eq3A_266 = arith.constant 14 : i32
    %eq3A_267 = vector.broadcast %eq3A_266 : i32 to vector<16xi32>
    %eq3A_268 = arith.cmpi eq, %iota3A, %eq3A_267 : vector<16xi32>
    %get3A_269 = arith.constant 30 : i32
    %get3A_270 = arith.index_cast %get3A_269 : i32 to index
    %get3A_271 = memref.load %arg11[%get3A_270] : memref<32xi32, #tpu.memory_space<smem>>
    %broadcast_in_dim3A_272 = vector.broadcast %get3A_271 : i32 to vector<16xi32>
    %select_n3A_273 = arith.select %eq3A_268, %broadcast_in_dim3A_272, %select_n3A_265 : vector<16xi1>, vector<16xi32>
    %eq3A_274 = arith.constant 15 : i32
    %eq3A_275 = vector.broadcast %eq3A_274 : i32 to vector<16xi32>
    %eq3A_276 = arith.cmpi eq, %iota3A, %eq3A_275 : vector<16xi32>
    %get3A_277 = arith.constant 31 : i32
    %get3A_278 = arith.index_cast %get3A_277 : i32 to index
    %get3A_279 = memref.load %arg11[%get3A_278] : memref<32xi32, #tpu.memory_space<smem>>
    %broadcast_in_dim3A_280 = vector.broadcast %get3A_279 : i32 to vector<16xi32>
    %select_n3A_281 = arith.select %eq3A_276, %broadcast_in_dim3A_280, %select_n3A_273 : vector<16xi1>, vector<16xi32>
    %swap3A_282 = arith.constant 16 : index
    %swap3A_283 = tpu.vector_load %arg14[%swap3A_282] {strides = array<i32>} : memref<32xi32, #tpu.memory_space<vmem>>, vector<16xi32>,
    tpu.vector_store %arg14[%swap3A_282], %select_n3A_281 {strides = array<i32>} : memref<32xi32, #tpu.memory_space<vmem>>, vector<16xi32>,
    "tpu.region"() ({
      %run_scoped3A = tpu.sem_alloc : memref<!tpu.dma_semaphore, #tpu.memory_space<semaphore_mem>>
      %dma_start3A_284 = tpu.memref_slice %arg5[%mul3A_2] : memref<1024xi32, #tpu.memory_space<hbm>> -> memref<32xi32, #tpu.memory_space<hbm>>
      %dma_start3A_285 = tpu.memref_slice %arg5[%mul3A_2] : memref<1024xi32, #tpu.memory_space<hbm>> -> memref<32xi32, #tpu.memory_space<hbm>>
      tpu.enqueue_dma source(%arg14 : memref<32xi32, #tpu.memory_space<vmem>>) target(%dma_start3A_285 : memref<32xi32, #tpu.memory_space<hbm>>) target_semaphore(%run_scoped3A : memref<!tpu.dma_semaphore, #tpu.memory_space<semaphore_mem>>)
      %dma_wait3A = tpu.memref_slice %arg5[%mul3A_2] : memref<1024xi32, #tpu.memory_space<hbm>> -> memref<32xi32, #tpu.memory_space<hbm>>
      %dma_wait3A_286 = tpu.memref_slice %arg5[%mul3A_2] : memref<1024xi32, #tpu.memory_space<hbm>> -> memref<32xi32, #tpu.memory_space<hbm>>
      tpu.wait_dma2 semaphore(%run_scoped3A : memref<!tpu.dma_semaphore, #tpu.memory_space<semaphore_mem>>) src(%arg14 : memref<32xi32, #tpu.memory_space<vmem>>) dst(%dma_wait3A_286 : memref<32xi32, #tpu.memory_space<hbm>>)
      tpu.yield
    }) : () -> ()
    return
  }
}

module attributes {stable_mosaic.version = 14 : i64} {
  func.func @_tc_d2_body(%arg0: i32, %arg1: memref<1024x16xf32, #tpu.memory_space<vmem>>, %arg2: memref<512x16xf32, #tpu.memory_space<vmem>>, %arg3: memref<1024x512xf32, #tpu.memory_space<vmem>>) attributes {dimension_semantics = [#tpu.dimension_semantics<arbitrary>], iteration_bounds = array<i64: 196>, scalar_prefetch = 0 : i64, scratch_operands = 0 : i64, tpu.core_type = #tpu.core_type<tc>, window_params = [{pipeline_mode = #tpu.pipeline_mode<synchronous>, transform_indices = @transform_0, window_bounds = array<i64: 1024, 16>}, {transform_indices = @transform_1, window_bounds = array<i64: 512, 16>}, {transform_indices = @transform_2, window_bounds = array<i64: 1024, 512>}]} {
    %get3A = arith.constant 0 : index
    %get3A_0 = arith.constant 0 : index
    %get3A_1 = vector.load %arg1[%get3A, %get3A_0] : memref<1024x16xf32, #tpu.memory_space<vmem>>, vector<1024x16xf32>
    %get3A_2 = arith.constant 0 : index
    %get3A_3 = arith.constant 0 : index
    %get3A_4 = vector.load %arg2[%get3A_2, %get3A_3] : memref<512x16xf32, #tpu.memory_space<vmem>>, vector<512x16xf32>
    %dot_general3A = arith.constant dense<0.000000e+00> : vector<1024x512xf32>
    %dot_general3A_5 = tpu.matmul %get3A_1, %get3A_4, %dot_general3A {dimension_numbers = #tpu.dot_dimension_numbers<[1], [1], [0], [0], [0, 0, 1, 0], [], []>, transpose_lhs_hint = false} : vector<1024x16xf32>, vector<512x16xf32>, vector<1024x512xf32> -> vector<1024x512xf32>
    %mul3A = arith.mulf %get3A_1, %get3A_1 : vector<1024x16xf32>
    %reduce_sum3A = arith.constant dense<0.000000e+00> : vector<1024xf32>
    %reduce_sum3A_6 = vector.multi_reduction <add>, %mul3A, %reduce_sum3A [1] : vector<1024x16xf32> to vector<1024xf32>
    %broadcast_in_dim3A = vector.shape_cast %reduce_sum3A_6 : vector<1024xf32> to vector<1024x1xf32>
    %mul3A_7 = arith.mulf %get3A_4, %get3A_4 : vector<512x16xf32>
    %reduce_sum3A_8 = arith.constant dense<0.000000e+00> : vector<512xf32>
    %reduce_sum3A_9 = vector.multi_reduction <add>, %mul3A_7, %reduce_sum3A_8 [1] : vector<512x16xf32> to vector<512xf32>
    %broadcast_in_dim3A_10 = vector.shape_cast %reduce_sum3A_9 : vector<512xf32> to vector<1x512xf32>
    %mul3A_11 = arith.constant 2.000000e+00 : f32
    %mul3A_12 = vector.broadcast %mul3A_11 : f32 to vector<1024x512xf32>
    %mul3A_13 = arith.mulf %mul3A_12, %dot_general3A_5 : vector<1024x512xf32>
    %sub3A = vector.broadcast %broadcast_in_dim3A : vector<1024x1xf32> to vector<1024x512xf32>
    %sub3A_14 = arith.subf %sub3A, %mul3A_13 : vector<1024x512xf32>
    %add3A = vector.broadcast %broadcast_in_dim3A_10 : vector<1x512xf32> to vector<1024x512xf32>
    %add3A_15 = arith.addf %sub3A_14, %add3A : vector<1024x512xf32>
    %swap3A = arith.constant 0 : index
    %swap3A_16 = arith.constant 0 : index
    %swap3A_17 = vector.load %arg3[%swap3A, %swap3A_16] : memref<1024x512xf32, #tpu.memory_space<vmem>>, vector<1024x512xf32>
    tpu.vector_store %arg3[%swap3A, %swap3A_16], %add3A_15 {strides = array<i32>} : memref<1024x512xf32, #tpu.memory_space<vmem>>, vector<1024x512xf32>,
    return
  }
  func.func @transform_0(%arg0: i32) -> (i32, i32) {
    %c0_i32 = arith.constant 0 : i32
    %c0_i32_0 = arith.constant 0 : i32
    %c0_i32_1 = arith.constant 0 : i32
    return %c0_i32, %c0_i32_0 : i32, i32
  }
  func.func @transform_1(%arg0: i32) -> (i32, i32) {
    %c0_i32 = arith.constant 0 : i32
    %c0_i32_0 = arith.constant 0 : i32
    return %arg0, %c0_i32 : i32, i32
  }
  func.func @transform_2(%arg0: i32) -> (i32, i32) {
    %c0_i32 = arith.constant 0 : i32
    %c0_i32_0 = arith.constant 0 : i32
    return %c0_i32, %arg0 : i32, i32
  }
}

module attributes {stable_mosaic.version = 14 : i64} {
  func.func @_tc_gmin_body(%arg0: i32, %arg1: memref<32x784x128xf32, #tpu.memory_space<vmem>>, %arg2: memref<32x784xf32, #tpu.memory_space<vmem>>) attributes {dimension_semantics = [#tpu.dimension_semantics<arbitrary>], iteration_bounds = array<i64: 32>, scalar_prefetch = 0 : i64, scratch_operands = 0 : i64, tpu.core_type = #tpu.core_type<tc>, window_params = [{transform_indices = @transform_0, window_bounds = array<i64: 32, 784, 128>}, {transform_indices = @transform_1, window_bounds = array<i64: 32, 784>}]} {
    %get3A = arith.constant 0 : index
    %get3A_0 = arith.constant 0 : index
    %get3A_1 = arith.constant 0 : index
    %get3A_2 = vector.load %arg1[%get3A, %get3A_0, %get3A_1] : memref<32x784x128xf32, #tpu.memory_space<vmem>>, vector<32x784x128xf32>
    %reduce_min3A = arith.constant dense<0x7F800000> : vector<32x784xf32>
    %reduce_min3A_3 = vector.multi_reduction <minimumf>, %get3A_2, %reduce_min3A [2] : vector<32x784x128xf32> to vector<32x784xf32>
    %swap3A = arith.constant 0 : index
    %swap3A_4 = arith.constant 0 : index
    %swap3A_5 = vector.load %arg2[%swap3A, %swap3A_4] : memref<32x784xf32, #tpu.memory_space<vmem>>, vector<32x784xf32>
    tpu.vector_store %arg2[%swap3A, %swap3A_4], %reduce_min3A_3 {strides = array<i32>} : memref<32x784xf32, #tpu.memory_space<vmem>>, vector<32x784xf32>,
    return
  }
  func.func @transform_0(%arg0: i32) -> (i32, i32, i32) {
    %c0_i32 = arith.constant 0 : i32
    %c0_i32_0 = arith.constant 0 : i32
    %c0_i32_1 = arith.constant 0 : i32
    return %arg0, %c0_i32, %c0_i32_0 : i32, i32, i32
  }
  func.func @transform_1(%arg0: i32) -> (i32, i32) {
    %c0_i32 = arith.constant 0 : i32
    %c0_i32_0 = arith.constant 0 : i32
    return %arg0, %c0_i32 : i32, i32
  }
}

</mosaic_0001>

<sc_bundles>
// kernel: kernel.5.cloned.1.call-start
scs
__scs_entry_jumppad:
0x0: {  	(pc) =	sbr.rel $0x88, $3  }
0x1: {  	(tag) =	ssettag $0x0;
	lr =	simm.s32 $0x1  }
0x2: {  	[smem:$0x3F9E] =	sst lr;
	_ =	strace $0xD0000000  }
0x3: {  	_ = 	snop  }
0x4: {  	_ = 	snop  }
0x5: {  	_ = 	snop  }
0x6: {  	_ = 	snop  }
0x7: {  	_ = 	snop  }
__scs_overlays_trampoline_lowered:
0x8: {  	[smem:$0x3FAD] =	sst s0  }
0x9: {  	[smem:$0x3FAE] =	sst s1  }
0xa: {  	[smem:$0x3FAF] =	sst s2  }
0xb: {  	[smem:$0x3FB0] =	sst s3  }
0xc: {  	[smem:$0x3FB1] =	sst s4  }
0xd: {  	[smem:$0x3FB2] =	sst s5  }
0xe: {  	[smem:$0x3FB3] =	sst s6  }
0xf: {  	[smem:$0x3FB4] =	sst s7  }
0x10: {  	[smem:$0x3FB5] =	sst s8  }
0x11: {  	[smem:$0x3FB6] =	sst s9;
	s0 =	simm.s32 @!p0 $0x0  }
0x12: {  	s1 =	sld [smem:$0x3F9C];
	s0 =	simm.s32 @p0 $0x1  }
0x13: {  	[smem:$0x3FB7] =	sst s0;
	s0 =	simm.s32 @!p1 $0x0  }
0x14: {  	s2 =	sld [smem:$0x3F9B];
	s0 =	simm.s32 @p1 $0x1  }
0x15: {  	[smem:$0x3FB8] =	sst s0;
	s0 =	simm.s32 @!p2 $0x0  }
0x16: {  	s3 =	sld [smem:$0x3FDB];
	s0 =	simm.s32 @p2 $0x1  }
0x17: {  	s4 =	simm.s32 $0x1BF5;
	[smem:$0x3FBA] =	sst s0  }
0x18: {  	s0 =	sld [smem:$0x3F9D];
	_ =	swait.ge [sflag:s4], $0x0  }
0x19: {  	s7 =	sld [smem:$0x3F9E]  }
0x1a: {  	s8 =	sadd.s32 $0xFFFFE003, lr  }
0x1b: {  	s9 =	sadd.s32 $0xFFFFFEF7, lr;
	s5 =	simm.s32 $0xFFFFFFFF;
	p2 =	slt.u32 s8, $0xFFFFF086  }
0x1c: {  	p1 =	slt.u32 s9, $0xF7A;
	s5 =	simm.s32 @!p2 $0x0  }
0x1d: {  	s5 =	simm.s32 @p1 $0x1;
	p0 =	seq.s32 s7, s2  }
0x1e: {  	s7 =	smul.u32 @!p0 $0xF7A, s2;
	p2 =	seq.s32 @!p0 s5, $0x0  }
0x1f: {  	s9 =	smul.u32 $0xF7A, s1;
	s8 =	simm.s32 @!p0 $0x1BF5;
	p2 =	por !p2, p0  }
0x20: {  	[sflag:s8] =	ssyncset.s32 @!p0 $0xFFFFF086;
	s6 =	sadd.s32 @!p0 s3, s7;
	s7 =	simm.s32 @!p0 $0x108  }
0x21: {  	s3 =	sadd.s32 s3, s9;
	s6 =	sadd.s32 @!p0 $0x88, s6;
	s7 =	simm.s32 @p2 $0x1082  }
0x22: {  	[simem:s7], [sflag:s8] =	dma.local @!p0 [hbm:s6], $0xF7A  }
0x23: {  	s9 =	sor.u32 $0xD0000000, s2;
	s6 =	simm.s32 $0x108;
	_ =	swait.ge @!p0 [sflag:s8], $0x0  }
0x24: {  	s3 =	sadd.s32 $0x88, s3;
	s6 =	simm.s32 @!p1 $0x1082;
	[sflag:s4] =	ssyncset.s32 $0xFFFFF086  }
0x25: {  	[simem:s6], [sflag:s4] =	dma.local [hbm:s3], $0xF7A  }
0x26: {  	[smem:$0x3F9E] =	sst s1;
	(tag) =	ssettag s2;
	_ =	strace s9  }
0x27: {  	s1 =	sld [smem:$0x3FAE]  }
0x28: {  	s2 =	sld [smem:$0x3FAF]  }
0x29: {  	s4 =	sld [smem:$0x3FB1]  }
0x2a: {  	p0 =	seq.s32 s5, $0x0;
	s5 =	sld [smem:$0x3FB2]  }
0x2b: {  	s6 =	sld [smem:$0x3FB3]  }
0x2c: {  	s7 =	sld [smem:$0x3FB4]  }
0x2d: {  	s3 =	simm.s32 $0x108;
	s8 =	sld [smem:$0x3FB5]  }
0x2e: {  	s3 =	simm.s32 @!p0 $0x1082;
	s9 =	sld [smem:$0x3FB6]  }
0x2f: {  	lr =	sadd.s32 s0, s3;
	s0 =	sld [smem:$0x3FAD]  }
0x30: {  	s3 =	sld [smem:$0x3FB0]  }
0x31: {  	[smem:$0x3FB9] =	sst s10  }
0x32: {  	s10 =	sld [smem:$0x3FB7];
	_ =	sdelay $0x3  }
0x33: {  	p0 =	seq.s32 s10, $0x1;
	s10 =	sld [smem:$0x3FB9];
	_ =	sdelay $0x3  }
0x34: {  	[smem:$0x3FB9] =	sst s10  }
0x35: {  	s10 =	sld [smem:$0x3FB8];
	_ =	sdelay $0x3  }
0x36: {  	p1 =	seq.s32 s10, $0x1;
	s10 =	sld [smem:$0x3FB9];
	_ =	sdelay $0x3  }
0x37: {  	[smem:$0x3FB9] =	sst s10  }
0x38: {  	s10 =	sld [smem:$0x3FBA]  }
0x39: {  	_ = 	snop;
	(pc) =	sbr.ind lr, $3  }
0x3a: {  	_ = 	snop  }
0x3b: {  	_ = 	snop  }
0x3c: {  	p2 =	seq.s32 s10, $0x1;
	s10 =	sld [smem:$0x3FB9]  }
0x3d: {  	_ =	shalt  }
0x3e: {  	_ =	shalt  }
0x3f: {  	_ =	shalt  }
0x40: {  	_ =	shalt  }
0x41: {  	_ =	shalt  }
0x42: {  	_ =	shalt  }
0x43: {  	_ =	shalt  }
0x44: {  	_ =	shalt  }
0x45: {  	_ =	shalt  }
0x46: {  	_ =	shalt  }
0x47: {  	_ =	shalt  }
0x48: {  	_ =	shalt  }
0x49: {  	_ =	shalt  }
0x4a: {  	_ =	shalt  }
0x4b: {  	_ =	shalt  }
0x4c: {  	_ =	shalt  }
0x4d: {  	_ =	shalt  }
0x4e: {  	_ =	shalt  }
0x4f: {  	_ =	shalt  }
0x50: {  	_ =	shalt  }
0x51: {  	_ =	shalt  }
0x52: {  	_ =	shalt  }
0x53: {  	_ =	shalt  }
0x54: {  	_ =	shalt  }
0x55: {  	_ =	shalt  }
0x56: {  	_ =	shalt  }
0x57: {  	_ =	shalt  }
0x58: {  	_ =	shalt  }
0x59: {  	_ =	shalt  }
0x5a: {  	_ =	shalt  }
0x5b: {  	_ =	shalt  }
0x5c: {  	_ =	shalt  }
0x5d: {  	_ =	shalt  }
0x5e: {  	_ =	shalt  }
0x5f: {  	_ =	shalt  }
0x60: {  	_ =	shalt  }
0x61: {  	_ =	shalt  }
0x62: {  	_ =	shalt  }
0x63: {  	_ =	shalt  }
0x64: {  	_ =	shalt  }
0x65: {  	_ =	shalt  }
0x66: {  	_ =	shalt  }
0x67: {  	_ =	shalt  }
0x68: {  	_ =	shalt  }
0x69: {  	_ =	shalt  }
0x6a: {  	_ =	shalt  }
0x6b: {  	_ =	shalt  }
0x6c: {  	_ =	shalt  }
0x6d: {  	_ =	shalt  }
0x6e: {  	_ =	shalt  }
0x6f: {  	_ =	shalt  }
0x70: {  	_ =	shalt  }
0x71: {  	_ =	shalt  }
0x72: {  	_ =	shalt  }
0x73: {  	_ =	shalt  }
0x74: {  	_ =	shalt  }
0x75: {  	_ =	shalt  }
0x76: {  	_ =	shalt  }
0x77: {  	_ =	shalt  }
0x78: {  	_ =	shalt  }
0x79: {  	_ =	shalt  }
0x7a: {  	_ =	shalt  }
0x7b: {  	_ =	shalt  }
0x7c: {  	_ =	shalt  }
0x7d: {  	_ =	shalt  }
0x7e: {  	_ =	shalt  }
0x7f: {  	_ =	shalt  }
0x80: {  	_ =	shalt  }
0x81: {  	_ =	shalt  }
0x82: {  	_ =	shalt  }
0x83: {  	_ =	shalt  }
0x84: {  	_ =	shalt  }
0x85: {  	_ =	shalt  }
0x86: {  	_ =	shalt  }
0x87: {  	_ =	shalt  }
.Lfunc_end0:
.L_simem_size_0:
called_computation.1_lowered:
.L_overlay_start_0:
0x88: {  	s2 =	sld [smem:$0x3FD9]  }
0x89: {  	s3 =	sld [smem:$0x3FFE];
	_ =	sdelay $0x1  }
0x8a: {  	s1 =	srdreg.scid  }
0x8b: {  	s0 =	sand.u32 $0x1, s1  }
0x8c: {  	s17 =	sshll.u32 s0, $0xA;
	s2 =	sadd.s32 s3, s2  }
0x8d: {  	s2 =	sadd.s32 s2, s17  }
0x8e: {  	[smem:$0x3FC5] =	sst s2  }
0x8f: {  	_ = 	snop  }
0x90: {  	s2 =	sld [smem:$0x3FD0];
	(tm) =	ssettm $0x1  }
0x91: {  	s18 =	sld [smem:$0x3FFB];
	_ =	sdelay $0x3  }
0x92: {  	_ =	strace s18  }
0x93: {  	s3 =	sld [smem:$0x3FFC];
	_ =	sdelay $0x3  }
0x94: {  	_ =	strace s3  }
0x95: {  	s3 =	sld [smem:$0x3FFD];
	_ =	sdelay $0x3  }
0x96: {  	_ =	strace s3  }
0x97: {  	_ =	strace $0x8FFFFFFF  }
0x98: {  	s19 =	sld [smem:$0x3FDB];
	_ =	sdelay $0x1  }
0x99: {  	s4 =	simm.s32 $_scs_section_size  }
0x9a: {  	s5 =	simm.s32 $_size__tile_overlayer_lowered;
	s6 =	simm.s32 $_tile_overlayer_lowered  }
0x9b: {  	s22 =	simm.s32 $0x1BFF;
	s21 =	sshll.u32 s6, $0x1;
	s3 =	sadd.s32 s4, s19  }
0x9c: {  	s7 =	simm.s32 $0x0;
	s20 =	sshll.u32 s5, $0x1;
	s5 =	sadd.s32 s21, s3  }
0x9d: {  	[timem:s7], [sflag:s22] =	dma.local [hbm:s5], s20  }
0x9e: {  	_ =	swait.ge [sflag:s22], s20  }
0x9f: {  	s4 =	ssub.s32 $0x0, s20;
	[sflag:s22] =	ssyncset.done $0x0  }
0xa0: {  	[sflag:s22] =	ssyncadd.s32 s4;
	_ =	sdelay $0x1  }
0xa1: {  	s23 =	simm.s32 $0x1B8B  }
0xa2: {  	_ =	swait.ge [sflag:s23], $0x1  }
0xa3: {  	[sflag:s23] =	ssyncset.done $0x0  }
0xa4: {  	s25 =	simm.s32 $0x1B8E;
	s24 =	sld [smem:$0x3FFE];
	[sflag:s23] =	ssyncadd.s32 $0xFFFFFFFF  }
0xa5: {  	s26 =	simm.s32 $execute0_lowered;
	[smem:$0x3FD2] =	sst s25  }
0xa6: {  	s5 =	sshll.u32 s26, $0x1;
	_ =	strace $0x80000049;
	[dreg:$0x1] =	wrdreg $0xFFFFFFFF  }
0xa7: {  	s28 =	simm.s32 $_size_execute0_lowered;
	s3 =	sadd.s32 s3, s5;
	[dreg:$0x0] =	wrdreg $0x0  }
0xa8: {  	s5 =	sshll.u32 s28, $0x1;
	[dreg:$0x2] =	wrdreg s3  }
0xa9: {  	[dreg:$0x3] =	wrdreg s5  }
0xaa: {  	[dreg:$0x4] =	wrdreg $0xC0  }
0xab: {  	_ =	task [dreg:s7], $0x5FFFF  }
0xac: {  	[dreg:$0x1] =	wrdreg $0xFFFFFFFF  }
0xad: {  	[dreg:$0x0] =	wrdreg $0x60  }
0xae: {  	[dreg:$0x2] =	wrdreg s24  }
0xaf: {  	[dreg:$0x3] =	wrdreg s2  }
0xb0: {  	[dreg:$0x4] =	wrdreg $0x9  }
0xb1: {  	_ =	task.clear_ibuf [dreg:s7], $0x5FFFF;
	_ =	strace $0x90000049  }
0xb2: {  	s29 =	simm.s32 $0x9;
	_ =	strace $0x8000004B  }
0xb3: {  	_ =	swait.ge [sflag:s29], $0x1  }
0xb4: {  	[sflag:s29] =	ssyncadd.s32 $0xFFFFFFFF  }
0xb5: {  	_ =	strace $0x9000004B  }
0xb6: {  	_ =	sfence  }
0xb7: {  	s30 =	sld [smem:$0x0];
	_ =	sdelay $0x2  }
0xb8: {  	s31 =	sshll.u32 s1, $0xD;
	s1 =	sshrl.u32 s1, $0x2  }
0xb9: {  	s3 =	sand.u32 $0x4000, s31;
	s1 =	sadd.s32 s1, s30  }
0xba: {  	s0 =	sor.u32 s3, s0;
	s1 =	sshll.u32 s1, $0x11  }
0xbb: {  	s0 =	sor.u32 s1, s0  }
0xbc: {  	s0 =	sadd.s32 $0x8F2B, s0  }
0xbd: {  	[sflag:s0] =	ssyncadd.remote.s32 $0x1  }
0xbe: {  	_ =	sfence.sel $0xFFFF  }
0xbf: {  	[dreg:$0x0] =	wrdreg $0xFFFFFFFF;
	(pc) =	sbr.abs _section_cstart, $3  }
0xc0: {  	[dreg:$0x1] =	wrdreg $0xFFFFFFFF  }
0xc1: {  	_ =	task.clear_ibuf [dreg:s7], $0x2FFFF;
	_ =	strace $0x9FFFFFFF  }
0xc2: {  	(tm) =	ssettm $0x7FFFFFFF  }
0xc3: {  	_ =	shalt  }
tec
execute0_lowered:
.L_overlay_start_1:
0x0: {  	(tag) =	ssettag $0x1  }
0x1: {  	s6 =	rddreg [dreg:$0x0]  }
0x2: {  	s8 =	rddreg [dreg:$0x1];
	s2 =	srdreg.scid  }
0x3: {  	s0 =	stileid.u32;
	s14 =	simm.s32 $0x7F61B1E6;
	s15 =	simm.s32 $0x3  }
0x4: {  	s17 =	simm.s32 $0x0;
	s5 =	sand.u32 $0x1, s2;
	s2 =	simm.s32 $0x0  }
0x5: {  	v0 =	vimm.f32 $3.000000010e+38;
	s3 =	sshll.u32 s0, $0x6;
	s4 =	sshll.u32 s5, $0x5;
	[smem:$0x7FF] =	sst s2  }
0x6: {  	v1 =	vimm.s32 $0x0;
	vm1 =	vcmask $0x704;
	vm2 =	vcmask $0xB08;
	s7 =	ssub.s32 $0x2, s5;
	s5 =	sadd.s32 $0x3E00, s6;
	s3 =	sor.u32 s4, s3  }
0x7: {  	vm3 =	vcmask $0xF0C;
	vm4 =	vcmask $0x1310;
	vm5 =	vcmask $0x1714;
	_ =	strace $0x8000004A;
	s11 =	sshrl.u32 s7, $0x1;
	s9 =	sshrl.u32 s3, $0x3  }
0x8: {  	vm6 =	vcmask $0x1B18;
	vm7 =	vcmask $0x1F1C;
	vm8 =	vcmask $0x2320;
	s4 =	sadd.s32 $0x30F600, s6;
	s11 =	ssub.s32 s7, s11;
	s10 =	smul.u32 $0x380, s9  }
0x9: {  	vm9 =	vcmask $0x2724;
	vm10 =	vcmask $0x2B28;
	vm11 =	vcmask $0x2F2C;
	s6 =	sadd.s32 $0xC00, s6;
	s8 =	sadd.s32 s8, s9;
	s9 =	smax.u32 s11, $0x1  }
0xa: {  	vm12 =	vcmask $0x3330;
	vm13 =	vcmask $0x3734;
	vm14 =	vcmask $0x3B38;
	s11 =	simm.s32 $0x4;
	s7 =	sadd.s32 s5, s10;
	s10 =	simm.s32 $0xF00  }
.LBB2_1:
0xb: {  	[tilespmem:s10], [sflag:$0x4] =	stream.linear.gather [hbm4b:s6+s2], $0x18800, $0x38;
	[tilespmem:$0x19880] =	vst v63  }
0xc: {  	_ =	swait.ge [sflag:s11], $0x18800  }
0xd: {  	s0 =	simm.s32 $0x80;
	s1 =	simm.s32 $0x400;
	[sflag:s11] =	ssyncset.done $0x0  }
0xe: {  	p1 =	por $0x0, $0x0;
	s18 =	simm.s32 $0x0;
	[sflag:s11] =	ssyncadd.s32 $0xFFFE7800  }
0xf: {  	[tilespmem:s2], [sflag:$0x1] =	stream.strided.gather [hbm4b:s7+s0], $0x380, s1, s0, $0x38;
	[tilespmem:$0x19880] =	vst v63  }
.LBB2_2:
0x10: {  	s20 =	sand.u32 $0x1, s18;
	s19 =	sadd.s32 $0x1, s18;
	p0 =	seq.s32 s18, $0x1F  }
0x11: {  	s21 =	simm.s32 $0x1;
	s0 =	simm.s32 @!p1 $0x0;
	s23 =	sadd.s32 $0x1, s20  }
0x12: {  	s22 =	sadd.s32 @!p0 s3, s19;
	s0 =	simm.s32 @p1 $0x1;
	s20 =	sxor.u32 @!p0 $0x1, s20  }
0x13: {  	s21 =	simm.s32 @!p1 $0x0;
	s22 =	sshrl.u32 @!p0 s22, $0x3;
	s26 =	smul.u32 @!p0 $0xE00, s20  }
0x14: {  	[smem:$0x7FD] =	sst s0;
	s24 =	smul.u32 @!p0 $0x1C00, s22;
	s22 =	sshll.u32 @!p0 s19, $0x7  }
0x15: {  	s20 =	sadd.s32 @!p0 $0x1, s20;
	_ =	swait.ge [sflag:s23], $0x380;
	s25 =	sand.u32 @!p0 $0x380, s22  }
0x16: {  	[sflag:s23] =	ssyncset.done $0x0;
	s22 =	smul.u32 $0x380, s21;
	s21 =	sor.u32 @!p0 s25, s24  }
0x17: {  	[sflag:s23] =	ssyncadd.s32 $0xFFFFFC80;
	s23 =	sshrl.u32 @!p0 s26, $0x2;
	s21 =	sshrl.u32 @!p0 s21, $0x3  }
0x18: {  	s24 =	simm.s32 @!p0 $0x80;
	s25 =	simm.s32 @!p0 $0x400;
	s21 =	sadd.s32 @!p0 s5, s21  }
0x19: {  	[tilespmem:s23], [sflag:s20] =	stream.strided.gather @!p0 [hbm4b:s21+s24], $0x380, s25, s24, $0x38;
	[tilespmem:$0x19880] =	vst v63  }
0x1a: {  	s26 =	sadd.s32 $0x0, s22;
	s20 =	simm.s32 $0x0  }
0x1b: {  	v2 =	vimm.s32 $0x0;
	s21 =	sand.u32 $0x780, s26;
	[tilespmem:$0x19700] =	vst v0;
	s28 =	sand.u32 $0x70, s20  }
0x1c: {  	[tilespmem:$0x19780] =	vst v2;
	s21 =	sor.u32 s28, s21  }
0x1d: {  	v3 =	vld [tilespmem:s21+$0x0];
	_ =	sdelay $0x4  }
0x1e: {  	(xrf0) =	vmin.scan.msk.f32 $0xffff, v3;
	_ =	sdelay $0x5  }
0x1f: {  	v4, _, _ =	vpop (xrf0)  }
0x20: {  	(v2sf) =	vpush v4, $0xF;
	_ =	sdelay $0xe  }
0x21: {  	s23 =	simm.f32 $3.000000010e+38;
	s29 =	spop (v2sf)  }
0x22: {  	p1 =	slt.f32 s29, s23;
	_ =	sdelay $0x1  }
0x23: {  	v4 =	vlaneseq.u32 @p1  }
0x24: {  	v5 =	vor.u32 @p1 s20, v4  }
0x25: {  	(xrf1) =	vsort.ascd.msk.f32 @p1 $0xffff, v3, v5;
	_ =	sdelay $0x9  }
0x26: {  	v3 =	vmul.u32 @p1 $0xFFFFFFFF, v4;
	_ =	sdelay $0x1  }
0x27: {  	v5 =	vadd.s32 @p1 $0xF, v3;
	v3 =	vld @p1 [tilespmem:$0x19700];
	_ =	sdelay $0x1  }
0x28: {  	v4, v6, _ =	vpop @p1 (xrf1)  }
0x29: {  	s30 =	sor.u32 s3, s18;
	s31 =	sshll.u32 s18, $0x7;
	[smem:$0x101] =	sst s14;
	v4 =	vperm.xlane @p1 v4, v5  }
0x2a: {  	s24 =	simm.s32 $0x10;
	s21 =	sand.u32 $0x380, s31;
	s20 =	sshrl.u32 s30, $0x3;
	v5 =	vperm.xlane @p1 v6, v5  }
.LBB2_3:
0x2b: {  	vm15 =	vle.f32 @p1 v3, v4;
	s25 =	smov.u32 s24;
	s24 =	sadd.s32 $0x10, s24  }
0x2c: {  	p2 =	sne.s32 s24, $0x380;
	v3 =	vsel @p1 vm15, v3, v4;
	v4 =	vsel @p1 vm15, v2, v5  }
0x2d: {  	(xrf1) =	vsort.ascd.msk.f32 @p1 $0xffff, v3, v4;
	_ =	sdelay $0xd  }
0x2e: {  	s26 =	sadd.s32 s25, s22;
	v4, v3, _ =	vpop @p1 (xrf1)  }
0x2f: {  	s28 =	sand.u32 $0x70, s25;
	s26 =	sand.u32 $0x780, s26;
	[tilespmem:$0x19700] =	vst @p1 v4;
	v2 =	vpsel p1, v3, v2;
	(v2sf) =	vpush @p1 v4, $0xF  }
0x30: {  	s26 =	sor.u32 s28, s26;
	[tilespmem:$0x19780] =	vst @p1 v3  }
0x31: {  	v3 =	vld [tilespmem:s26+$0x0];
	_ =	sdelay $0x4  }
0x32: {  	(xrf0) =	vmin.scan.msk.f32 $0xffff, v3;
	_ =	sdelay $0x5  }
0x33: {  	v4, _, _ =	vpop (xrf0)  }
0x34: {  	(v2sf) =	vpush v4, $0xF  }
0x35: {  	s26 =	spop @p1 (v2sf)  }
0x36: {  	[smem:$0x101] =	sst @p1 s26;
	s23 =	smov.u32 @p1 s26;
	_ =	sdelay $0xc  }
0x37: {  	s26 =	spop (v2sf)  }
0x38: {  	p1 =	slt.f32 s26, s23;
	_ =	sdelay $0x1  }
0x39: {  	v4 =	vlaneseq.u32 @p1  }
0x3a: {  	v5 =	vor.u32 @p1 s25, v4  }
0x3b: {  	(xrf1) =	vsort.ascd.msk.f32 @p1 $0xffff, v3, v5;
	_ =	sdelay $0xb  }
.Ltmp0:
0x3c: {  	v7 =	vmul.u32 @p1 $0xFFFFFFFF, v4;
	v3 =	vld @p1 [tilespmem:$0x19700];
	(pc) =	sbr.rel @p2 .LBB2_3-.Ltmp0, $4  }
0x3d: {  	_ = 	snop  }
0x3e: {  	v5 =	vadd.s32 @p1 $0xF, v7;
	v4, v6, _ =	vpop @p1 (xrf1)  }
0x3f: {  	v4 =	vperm.xlane @p1 v4, v5  }
0x40: {  	v5 =	vperm.xlane @p1 v6, v5  }
0x41: {  	vm15 =	vle.f32 @p1 v3, v4  }
0x42: {  	v3 =	vsel @p1 vm15, v3, v4;
	v4 =	vsel @p1 vm15, v2, v5  }
0x43: {  	(xrf1) =	vsort.ascd.msk.f32 @p1 $0xffff, v3, v4;
	_ =	sdelay $0xd  }
0x44: {  	v3, v4, _ =	vpop @p1 (xrf1)  }
0x45: {  	v2 =	vpsel p1, v4, v2;
	(v2sf) =	vpush @p1 v3, $0xF  }
0x46: {  	(v2sf) =	vpush v2, $0x0  }
0x47: {  	(v2sf) =	vpush v2, $0x1  }
0x48: {  	(v2sf) =	vpush v2, $0x2  }
0x49: {  	(v2sf) =	vpush v2, $0x3  }
0x4a: {  	(v2sf) =	vpush v2, $0x4  }
0x4b: {  	(v2sf) =	vpush v2, $0x5  }
0x4c: {  	(v2sf) =	vpush v2, $0x6  }
0x4d: {  	(v2sf) =	vpush v2, $0x7  }
0x4e: {  	(v2sf) =	vpush v2, $0x8  }
0x4f: {  	(v2sf) =	vpush v2, $0x9  }
0x50: {  	(v2sf) =	vpush v2, $0xA  }
0x51: {  	(v2sf) =	vpush v2, $0xB  }
0x52: {  	(v2sf) =	vpush v2, $0xC  }
0x53: {  	(v2sf) =	vpush v2, $0xD  }
0x54: {  	s22 =	spop @p1 (v2sf);
	(v2sf) =	vpush v2, $0xE  }
0x55: {  	[smem:$0x101] =	sst @p1 s22;
	s25 =	spop (v2sf);
	(v2sf) =	vpush v2, $0xF  }
0x56: {  	s23 =	spop (v2sf);
	[smem:$0x80] =	sst s25  }
0x57: {  	s26 =	spop (v2sf);
	[smem:$0x81] =	sst s23  }
0x58: {  	s28 =	spop (v2sf);
	[smem:$0x82] =	sst s26  }
0x59: {  	s29 =	spop (v2sf);
	[smem:$0x83] =	sst s28  }
0x5a: {  	s30 =	spop (v2sf);
	[smem:$0x84] =	sst s29  }
0x5b: {  	s31 =	spop (v2sf);
	[smem:$0x85] =	sst s30  }
0x5c: {  	s0 =	spop (v2sf);
	[smem:$0x86] =	sst s31  }
0x5d: {  	s1 =	spop (v2sf);
	[smem:$0x87] =	sst s0  }
0x5e: {  	s12 =	spop (v2sf);
	[smem:$0x88] =	sst s1  }
0x5f: {  	s13 =	spop (v2sf);
	[smem:$0x89] =	sst s12  }
0x60: {  	s16 =	spop (v2sf);
	[smem:$0x8A] =	sst s13  }
0x61: {  	s24 =	spop (v2sf);
	[smem:$0x8B] =	sst s16  }
0x62: {  	s25 =	spop (v2sf);
	[smem:$0x8C] =	sst s24  }
0x63: {  	s26 =	spop (v2sf);
	[smem:$0x8D] =	sst s25  }
0x64: {  	[tilespmem:$0x19700] =	vst @p1 v3;
	[smem:$0x8E] =	sst s26;
	s28 =	spop (v2sf)  }
0x65: {  	[tilespmem:$0x19780] =	vst @p1 v4;
	[smem:$0x8F] =	sst s28  }
0x66: {  	s22 =	sld [smem:$0x80]  }
0x67: {  	s20 =	smul.u32 $0xC4000, s20;
	_ =	sdelay $0x1  }
0x68: {  	s20 =	sor.u32 s21, s20;
	s29 =	sshll.u32 s22, $0xA  }
0x69: {  	s21 =	sadd.s32 s20, s29  }
0x6a: {  	s31 =	sld [smem:$0x81];
	s30 =	sshrl.u32 s21, $0x3  }
0x6b: {  	s21 =	simm.s32 $0x700;
	s22 =	sadd.s32 s4, s30  }
0x6c: {  	[tilespmem:s21], [sflag:$0x3] =	stream.linear.gather [hbm4b:s22+s2], $0x80, $0x38;
	[tilespmem:$0x19880] =	vst v63  }
0x6d: {  	s23 =	sshll.u32 s31, $0xA;
	s22 =	simm.s32 $0x8  }
.LBB2_5:
0x6e: {  	s24 =	sshra.s32 s22, $0x2;
	s23 =	sadd.s32 s20, s23;
	p0 =	sne.s32 s22, $0x3C  }
.Ltmp1:
0x6f: {  	s22 =	sadd.s32 $0x4, s22;
	s23 =	sshrl.u32 s23, $0x3;
	(pc) =	sbr.rel @p0 .LBB2_5-.Ltmp1, $4  }
0x70: {  	s21 =	sadd.s32 $0x80, s21;
	s24 =	sld [smem:s24+$0x80];
	s23 =	sadd.s32 s4, s23  }
0x71: {  	[tilespmem:s21], [sflag:$0x3] =	stream.linear.gather [hbm4b:s23+s2], $0x80, $0x38;
	[tilespmem:$0x19880] =	vst v63  }
0x72: {  	_ = 	snop  }
0x73: {  	s23 =	sshll.u32 s24, $0xA  }
0x74: {  	s20 =	sadd.s32 s20, s23  }
0x75: {  	s20 =	sshrl.u32 s20, $0x3  }
0x76: {  	s21 =	sadd.s32 $0x80, s21;
	s20 =	sadd.s32 s4, s20  }
0x77: {  	[tilespmem:s21], [sflag:$0x3] =	stream.linear.gather [hbm4b:s20+s2], $0x80, $0x38;
	[tilespmem:$0x19880] =	vst v63  }
0x78: {  	v2 =	vimm.s32 $0x0;
	[smem:$0x100] =	sst s14;
	[tilespmem:$0x19700] =	vst v0  }
0x79: {  	s22 =	simm.s32 $0x740;
	s20 =	simm.f32 $3.000000010e+38;
	s21 =	simm.s32 $0x0;
	[tilespmem:$0x19780] =	vst v2  }
.LBB2_7:
0x7a: {  	s23 =	sshra.s32 s21, $0x2  }
0x7b: {  	s23 =	sld [smem:s23+$0x80];
	_ =	swait.ge [sflag:s15], $0x80  }
0x7c: {  	[sflag:s15] =	ssyncset.done $0x0  }
0x7d: {  	[sflag:s15] =	ssyncadd.s32 $0xFFFFFF80  }
0x7e: {  	v3 =	vld [tilespmem:s22+$0xFFFFFFC0];
	_ =	sdelay $0x4  }
0x7f: {  	(xrf0) =	vmin.scan.msk.f32 $0xffff, v3;
	_ =	sdelay $0x5  }
0x80: {  	v4, _, _ =	vpop (xrf0)  }
0x81: {  	(v2sf) =	vpush v4, $0xF;
	_ =	sdelay $0xe  }
0x82: {  	s24 =	spop (v2sf)  }
0x83: {  	p0 =	slt.f32 s24, s20;
	_ =	sdelay $0x1  }
0x84: {  	s23 =	sshll.u32 s23, $0x7;
	v4 =	vlaneseq.u32 @p0  }
0x85: {  	v5 =	vor.u32 @p0 s23, v4  }
0x86: {  	(xrf1) =	vsort.ascd.msk.f32 @p0 $0xffff, v3, v5;
	_ =	sdelay $0xb  }
0x87: {  	v4 =	vmul.u32 @p0 $0xFFFFFFFF, v4;
	v3 =	vld @p0 [tilespmem:$0x19700];
	_ =	sdelay $0x1  }
0x88: {  	v4 =	vadd.s32 @p0 $0xF, v4;
	v5, v6, _ =	vpop @p0 (xrf1)  }
0x89: {  	v5 =	vperm.xlane @p0 v5, v4  }
0x8a: {  	v4 =	vperm.xlane @p0 v6, v4  }
0x8b: {  	vm15 =	vle.f32 @p0 v3, v5  }
0x8c: {  	v3 =	vsel @p0 vm15, v3, v5;
	v4 =	vsel @p0 vm15, v2, v4  }
0x8d: {  	(xrf1) =	vsort.ascd.msk.f32 @p0 $0xffff, v3, v4;
	_ =	sdelay $0xd  }
0x8e: {  	v4, v3, _ =	vpop @p0 (xrf1)  }
0x8f: {  	[tilespmem:$0x19700] =	vst @p0 v4  }
0x90: {  	[tilespmem:$0x19780] =	vst @p0 v3  }
0x91: {  	v5 =	vld [tilespmem:s22+$0xFFFFFFD0];
	_ =	sdelay $0x4  }
0x92: {  	(xrf0) =	vmin.scan.msk.f32 $0xffff, v5;
	_ =	sdelay $0x5  }
0x93: {  	(v2sf) =	vpush @p0 v4, $0xF;
	v57, _, _ =	vpop (xrf0)  }
0x94: {  	(v2sf) =	vpush v57, $0xF;
	_ =	sdelay $0xd  }
0x95: {  	s24 =	spop @p0 (v2sf)  }
0x96: {  	s20 =	smov.u32 @p0 s24;
	s25 =	spop (v2sf)  }
0x97: {  	p1 =	slt.f32 s25, s20;
	_ =	sdelay $0x1  }
0x98: {  	s25 =	sor.u32 @p1 $0x10, s23;
	v4 =	vlaneseq.u32 @p1  }
0x99: {  	v6 =	vor.u32 @p1 s25, v4  }
0x9a: {  	(xrf1) =	vsort.ascd.msk.f32 @p1 $0xffff, v5, v6;
	_ =	sdelay $0xb  }
0x9b: {  	v4 =	vmul.u32 @p1 $0xFFFFFFFF, v4;
	v5 =	vld @p1 [tilespmem:$0x19700];
	_ =	sdelay $0x1  }
0x9c: {  	v4 =	vadd.s32 @p1 $0xF, v4;
	v6, v7, _ =	vpop @p1 (xrf1)  }
0x9d: {  	v6 =	vperm.xlane @p1 v6, v4  }
0x9e: {  	v4 =	vperm.xlane @p1 v7, v4  }
0x9f: {  	v2 =	vpsel p0, v3, v2;
	vm15 =	vle.f32 @p1 v5, v6  }
0xa0: {  	v3 =	vsel @p1 vm15, v5, v6;
	v4 =	vsel @p1 vm15, v2, v4  }
0xa1: {  	(xrf1) =	vsort.ascd.msk.f32 @p1 $0xffff, v3, v4;
	_ =	sdelay $0xd  }
0xa2: {  	v4, v3, _ =	vpop @p1 (xrf1)  }
0xa3: {  	[tilespmem:$0x19700] =	vst @p1 v4  }
0xa4: {  	[tilespmem:$0x19780] =	vst @p1 v3  }
0xa5: {  	v5 =	vld [tilespmem:s22+$0xFFFFFFE0];
	_ =	sdelay $0x4  }
0xa6: {  	(xrf0) =	vmin.scan.msk.f32 $0xffff, v5;
	_ =	sdelay $0x5  }
0xa7: {  	(v2sf) =	vpush @p1 v4, $0xF;
	v58, _, _ =	vpop (xrf0)  }
0xa8: {  	(v2sf) =	vpush v58, $0xF;
	_ =	sdelay $0xd  }
0xa9: {  	s25 =	spop @p1 (v2sf)  }
0xaa: {  	s20 =	smov.u32 @p1 s25;
	s26 =	spop (v2sf)  }
0xab: {  	p3 =	slt.f32 s26, s20;
	_ =	sdelay $0x1  }
0xac: {  	s26 =	sor.u32 @p3 $0x20, s23;
	v4 =	vlaneseq.u32 @p3  }
0xad: {  	v6 =	vor.u32 @p3 s26, v4  }
0xae: {  	(xrf1) =	vsort.ascd.msk.f32 @p3 $0xffff, v5, v6;
	_ =	sdelay $0xb  }
0xaf: {  	v4 =	vmul.u32 @p3 $0xFFFFFFFF, v4;
	v5 =	vld @p3 [tilespmem:$0x19700];
	_ =	sdelay $0x1  }
0xb0: {  	v4 =	vadd.s32 @p3 $0xF, v4;
	v6, v7, _ =	vpop @p3 (xrf1)  }
0xb1: {  	v6 =	vperm.xlane @p3 v6, v4  }
0xb2: {  	v4 =	vperm.xlane @p3 v7, v4  }
0xb3: {  	v2 =	vpsel p1, v3, v2;
	vm15 =	vle.f32 @p3 v5, v6  }
0xb4: {  	v3 =	vsel @p3 vm15, v5, v6;
	v4 =	vsel @p3 vm15, v2, v4  }
0xb5: {  	(xrf1) =	vsort.ascd.msk.f32 @p3 $0xffff, v3, v4;
	_ =	sdelay $0xd  }
0xb6: {  	v4, v3, _ =	vpop @p3 (xrf1)  }
0xb7: {  	[tilespmem:$0x19700] =	vst @p3 v4  }
0xb8: {  	[tilespmem:$0x19780] =	vst @p3 v3  }
0xb9: {  	v5 =	vld [tilespmem:s22+$0xFFFFFFF0];
	_ =	sdelay $0x4  }
0xba: {  	(xrf0) =	vmin.scan.msk.f32 $0xffff, v5;
	_ =	sdelay $0x5  }
0xbb: {  	(v2sf) =	vpush @p3 v4, $0xF;
	v59, _, _ =	vpop (xrf0)  }
0xbc: {  	(v2sf) =	vpush v59, $0xF;
	_ =	sdelay $0xd  }
0xbd: {  	s26 =	spop @p3 (v2sf)  }
0xbe: {  	s20 =	smov.u32 @p3 s26;
	s28 =	spop (v2sf)  }
0xbf: {  	p4 =	slt.f32 s28, s20;
	_ =	sdelay $0x1  }
0xc0: {  	s28 =	sor.u32 @p4 $0x30, s23;
	v4 =	vlaneseq.u32 @p4  }
0xc1: {  	v6 =	vor.u32 @p4 s28, v4  }
0xc2: {  	(xrf1) =	vsort.ascd.msk.f32 @p4 $0xffff, v5, v6;
	_ =	sdelay $0xb  }
0xc3: {  	v4 =	vmul.u32 @p4 $0xFFFFFFFF, v4;
	v5 =	vld @p4 [tilespmem:$0x19700];
	_ =	sdelay $0x1  }
0xc4: {  	v4 =	vadd.s32 @p4 $0xF, v4;
	v6, v7, _ =	vpop @p4 (xrf1)  }
0xc5: {  	v6 =	vperm.xlane @p4 v6, v4  }
0xc6: {  	v4 =	vperm.xlane @p4 v7, v4  }
0xc7: {  	v2 =	vpsel p3, v3, v2;
	vm15 =	vle.f32 @p4 v5, v6  }
0xc8: {  	v3 =	vsel @p4 vm15, v5, v6;
	v4 =	vsel @p4 vm15, v2, v4  }
0xc9: {  	(xrf1) =	vsort.ascd.msk.f32 @p4 $0xffff, v3, v4;
	_ =	sdelay $0xd  }
0xca: {  	v4, v3, _ =	vpop @p4 (xrf1)  }
0xcb: {  	[tilespmem:$0x19700] =	vst @p4 v4  }
0xcc: {  	[tilespmem:$0x19780] =	vst @p4 v3  }
0xcd: {  	v5 =	vld [tilespmem:s22+$0x0];
	_ =	sdelay $0x4  }
0xce: {  	(xrf0) =	vmin.scan.msk.f32 $0xffff, v5;
	_ =	sdelay $0x5  }
0xcf: {  	(v2sf) =	vpush @p4 v4, $0xF;
	v60, _, _ =	vpop (xrf0)  }
0xd0: {  	(v2sf) =	vpush v60, $0xF;
	_ =	sdelay $0xd  }
0xd1: {  	s28 =	spop @p4 (v2sf)  }
0xd2: {  	s20 =	smov.u32 @p4 s28;
	s29 =	spop (v2sf)  }
0xd3: {  	p5 =	slt.f32 s29, s20;
	_ =	sdelay $0x1  }
0xd4: {  	s29 =	sor.u32 @p5 $0x40, s23;
	v4 =	vlaneseq.u32 @p5  }
0xd5: {  	v6 =	vor.u32 @p5 s29, v4  }
0xd6: {  	(xrf1) =	vsort.ascd.msk.f32 @p5 $0xffff, v5, v6;
	_ =	sdelay $0xb  }
0xd7: {  	v4 =	vmul.u32 @p5 $0xFFFFFFFF, v4;
	v5 =	vld @p5 [tilespmem:$0x19700];
	_ =	sdelay $0x1  }
0xd8: {  	v4 =	vadd.s32 @p5 $0xF, v4;
	v6, v7, _ =	vpop @p5 (xrf1)  }
0xd9: {  	v6 =	vperm.xlane @p5 v6, v4  }
0xda: {  	v4 =	vperm.xlane @p5 v7, v4  }
0xdb: {  	v2 =	vpsel p4, v3, v2;
	vm15 =	vle.f32 @p5 v5, v6  }
0xdc: {  	v3 =	vsel @p5 vm15, v5, v6;
	v4 =	vsel @p5 vm15, v2, v4  }
0xdd: {  	(xrf1) =	vsort.ascd.msk.f32 @p5 $0xffff, v3, v4;
	_ =	sdelay $0xd  }
0xde: {  	v4, v3, _ =	vpop @p5 (xrf1)  }
0xdf: {  	[tilespmem:$0x19700] =	vst @p5 v4  }
0xe0: {  	[tilespmem:$0x19780] =	vst @p5 v3  }
0xe1: {  	v5 =	vld [tilespmem:s22+$0x10];
	_ =	sdelay $0x4  }
0xe2: {  	(xrf0) =	vmin.scan.msk.f32 $0xffff, v5;
	_ =	sdelay $0x5  }
0xe3: {  	(v2sf) =	vpush @p5 v4, $0xF;
	v61, _, _ =	vpop (xrf0)  }
0xe4: {  	(v2sf) =	vpush v61, $0xF;
	_ =	sdelay $0xd  }
0xe5: {  	s29 =	spop @p5 (v2sf)  }
0xe6: {  	s20 =	smov.u32 @p5 s29;
	s30 =	spop (v2sf)  }
0xe7: {  	p6 =	slt.f32 s30, s20;
	_ =	sdelay $0x1  }
0xe8: {  	s30 =	sor.u32 @p6 $0x50, s23;
	v4 =	vlaneseq.u32 @p6  }
0xe9: {  	v6 =	vor.u32 @p6 s30, v4  }
0xea: {  	(xrf1) =	vsort.ascd.msk.f32 @p6 $0xffff, v5, v6;
	_ =	sdelay $0xb  }
0xeb: {  	v4 =	vmul.u32 @p6 $0xFFFFFFFF, v4;
	v5 =	vld @p6 [tilespmem:$0x19700];
	_ =	sdelay $0x1  }
0xec: {  	v4 =	vadd.s32 @p6 $0xF, v4;
	v6, v7, _ =	vpop @p6 (xrf1)  }
0xed: {  	v6 =	vperm.xlane @p6 v6, v4  }
0xee: {  	v4 =	vperm.xlane @p6 v7, v4  }
0xef: {  	v2 =	vpsel p5, v3, v2;
	vm15 =	vle.f32 @p6 v5, v6  }
0xf0: {  	v3 =	vsel @p6 vm15, v5, v6;
	v4 =	vsel @p6 vm15, v2, v4  }
0xf1: {  	(xrf1) =	vsort.ascd.msk.f32 @p6 $0xffff, v3, v4;
	_ =	sdelay $0xd  }
0xf2: {  	v4, v3, _ =	vpop @p6 (xrf1)  }
0xf3: {  	[tilespmem:$0x19700] =	vst @p6 v4  }
0xf4: {  	[tilespmem:$0x19780] =	vst @p6 v3  }
0xf5: {  	v5 =	vld [tilespmem:s22+$0x20];
	_ =	sdelay $0x4  }
0xf6: {  	(xrf0) =	vmin.scan.msk.f32 $0xffff, v5;
	_ =	sdelay $0x5  }
0xf7: {  	(v2sf) =	vpush @p6 v4, $0xF;
	v62, _, _ =	vpop (xrf0)  }
0xf8: {  	(v2sf) =	vpush v62, $0xF;
	_ =	sdelay $0xb  }
0xf9: {  	s0 =	simm.s32 @!p0 $0x0  }
0xfa: {  	s0 =	simm.s32 @p0 $0x1  }
0xfb: {  	[smem:$0x7FB] =	sst s0;
	s30 =	spop @p6 (v2sf)  }
0xfc: {  	s0 =	simm.s32 @!p1 $0x0;
	s20 =	smov.u32 @p6 s30;
	s31 =	spop (v2sf)  }
0xfd: {  	s0 =	simm.s32 @p1 $0x1;
	p1 =	slt.f32 s31, s20;
	_ =	sdelay $0x1  }
0xfe: {  	s31 =	sor.u32 @p1 $0x60, s23;
	v4 =	vlaneseq.u32 @p1  }
0xff: {  	v6 =	vor.u32 @p1 s31, v4  }
0x100: {  	(xrf1) =	vsort.ascd.msk.f32 @p1 $0xffff, v5, v6;
	_ =	sdelay $0xb  }
0x101: {  	v4 =	vmul.u32 @p1 $0xFFFFFFFF, v4;
	v5 =	vld @p1 [tilespmem:$0x19700];
	_ =	sdelay $0x1  }
0x102: {  	v4 =	vadd.s32 @p1 $0xF, v4;
	v6, v7, _ =	vpop @p1 (xrf1)  }
0x103: {  	v6 =	vperm.xlane @p1 v6, v4  }
0x104: {  	v4 =	vperm.xlane @p1 v7, v4  }
0x105: {  	v2 =	vpsel p6, v3, v2;
	vm15 =	vle.f32 @p1 v5, v6  }
0x106: {  	v3 =	vsel @p1 vm15, v5, v6;
	v4 =	vsel @p1 vm15, v2, v4  }
0x107: {  	(xrf1) =	vsort.ascd.msk.f32 @p1 $0xffff, v3, v4;
	_ =	sdelay $0xd  }
0x108: {  	v4, v3, _ =	vpop @p1 (xrf1)  }
0x109: {  	[tilespmem:$0x19700] =	vst @p1 v4  }
0x10a: {  	[tilespmem:$0x19780] =	vst @p1 v3  }
0x10b: {  	v5 =	vld [tilespmem:s22+$0x30];
	_ =	sdelay $0x4  }
0x10c: {  	(xrf0) =	vmin.scan.msk.f32 $0xffff, v5;
	_ =	sdelay $0x5  }
0x10d: {  	(v2sf) =	vpush @p1 v4, $0xF;
	v63, _, _ =	vpop (xrf0)  }
0x10e: {  	(v2sf) =	vpush v63, $0xF;
	_ =	sdelay $0xd  }
0x10f: {  	s31 =	spop @p1 (v2sf)  }
0x110: {  	s20 =	smov.u32 @p1 s31;
	s16 =	spop (v2sf)  }
0x111: {  	p0 =	slt.f32 s16, s20;
	_ =	sdelay $0x1  }
0x112: {  	[smem:$0x7FC] =	sst s0;
	s0 =	sor.u32 @p0 $0x70, s23;
	v4 =	vlaneseq.u32 @p0  }
0x113: {  	v6 =	vor.u32 @p0 s0, v4  }
0x114: {  	(xrf1) =	vsort.ascd.msk.f32 @p0 $0xffff, v5, v6;
	_ =	sdelay $0xb  }
0x115: {  	v4 =	vmul.u32 @p0 $0xFFFFFFFF, v4;
	v5 =	vld @p0 [tilespmem:$0x19700];
	_ =	sdelay $0x1  }
0x116: {  	v4 =	vadd.s32 @p0 $0xF, v4;
	v6, v7, _ =	vpop @p0 (xrf1)  }
0x117: {  	v6 =	vperm.xlane @p0 v6, v4  }
0x118: {  	v4 =	vperm.xlane @p0 v7, v4  }
0x119: {  	v2 =	vpsel p1, v3, v2;
	vm15 =	vle.f32 @p0 v5, v6  }
0x11a: {  	v3 =	vsel @p0 vm15, v5, v6;
	v4 =	vsel @p0 vm15, v2, v4  }
0x11b: {  	(xrf1) =	vsort.ascd.msk.f32 @p0 $0xffff, v3, v4;
	_ =	sdelay $0xb  }
0x11c: {  	s23 =	sld [smem:$0x7FB];
	_ =	sdelay $0x1  }
0x11d: {  	v4, v3, _ =	vpop @p0 (xrf1)  }
0x11e: {  	p2 =	seq.s32 s23, $0x1;
	(v2sf) =	vpush @p0 v4, $0xF  }
0x11f: {  	[smem:$0x100] =	sst @p2 s24  }
0x120: {  	s24 =	sld [smem:$0x7FC];
	_ =	sdelay $0x2  }
0x121: {  	p2 =	seq.s32 s24, $0x1  }
0x122: {  	[smem:$0x100] =	sst @p2 s25  }
0x123: {  	[smem:$0x100] =	sst @p3 s26  }
0x124: {  	[smem:$0x100] =	sst @p4 s28  }
0x125: {  	[smem:$0x100] =	sst @p5 s29  }
0x126: {  	s21 =	sadd.s32 $0x4, s21;
	[smem:$0x100] =	sst @p6 s30  }
0x127: {  	[smem:$0x100] =	sst @p1 s31;
	p1 =	sne.s32 s21, $0x40  }
.Ltmp2:
0x128: {  	_ = 	snop;
	(pc) =	sbr.rel @p1 .LBB2_7-.Ltmp2, $3  }
0x129: {  	_ =	sdelay $0x1  }
0x12a: {  	[tilespmem:$0x19700] =	vst @p0 v4;
	s0 =	spop @p0 (v2sf)  }
0x12b: {  	s22 =	sadd.s32 $0x80, s22;
	[tilespmem:$0x19780] =	vst @p0 v3;
	v2 =	vpsel p0, v3, v2;
	[smem:$0x100] =	sst @p0 s0;
	s20 =	smov.u32 @p0 s0  }
0x12c: {  	_ =	sdelay $0x3  }
0x12d: {  	v2 =	vld.idx.msk [tilespmem:v2+s10+$0x0], $0xffff;
	_ =	sdelay $0x4  }
0x12e: {  	v3 =	vbroadcast v2, $0x0;
	v4 =	vbroadcast v2, $0x1  }
0x12f: {  	v6 =	vbroadcast v2, $0x3;
	v41 =	vbroadcast v2, $0x4  }
0x130: {  	v43 =	vbroadcast v2, $0x5;
	v45 =	vbroadcast v2, $0x6  }
0x131: {  	v47 =	vbroadcast v2, $0x7;
	v49 =	vbroadcast v2, $0x8  }
0x132: {  	v51 =	vbroadcast v2, $0x9;
	v53 =	vbroadcast v2, $0xA  }
0x133: {  	v55 =	vbroadcast v2, $0xB;
	v57 =	vbroadcast v2, $0xC  }
0x134: {  	v59 =	vbroadcast v2, $0xD;
	vm15 =	veq.s32 v2, v3;
	v3 =	vbroadcast v2, $0x2  }
0x135: {  	v60 =	vbroadcast v2, $0xE;
	v61 =	vbroadcast v2, $0xF;
	vm0 =	veq.s32 v2, v4  }
0x136: {  	v40 =	vsel vm15, $0x1, v1;
	v5 =	vsel vm0, $0x1, v1;
	vm0 =	veq.s32 v2, v3  }
0x137: {  	v4 =	vadd.s32 v5, v40;
	v3 =	vsel vm0, $0x1, v1;
	vm0 =	veq.s32 v2, v6  }
0x138: {  	v3 =	vadd.s32 v3, v4;
	v42 =	vsel vm0, $0x1, v1;
	vm0 =	veq.s32 v2, v41  }
0x139: {  	v3 =	vadd.s32 v42, v3;
	v44 =	vsel vm0, $0x1, v1;
	vm0 =	veq.s32 v2, v43  }
0x13a: {  	v3 =	vadd.s32 v44, v3;
	v46 =	vsel vm0, $0x1, v1;
	vm0 =	veq.s32 v2, v45  }
0x13b: {  	v3 =	vadd.s32 v46, v3;
	v48 =	vsel vm0, $0x1, v1;
	vm0 =	veq.s32 v2, v47  }
0x13c: {  	v3 =	vadd.s32 v48, v3;
	v50 =	vsel vm0, $0x1, v1;
	vm0 =	veq.s32 v2, v49  }
0x13d: {  	v3 =	vadd.s32 v50, v3;
	v52 =	vsel vm0, $0x1, v1;
	vm0 =	veq.s32 v2, v51  }
0x13e: {  	v3 =	vadd.s32 v52, v3;
	v54 =	vsel vm0, $0x1, v1;
	vm0 =	veq.s32 v2, v53  }
0x13f: {  	v3 =	vadd.s32 v54, v3;
	v56 =	vsel vm0, $0x1, v1;
	vm0 =	veq.s32 v2, v55  }
0x140: {  	v3 =	vadd.s32 v56, v3;
	v58 =	vsel vm0, $0x1, v1;
	vm0 =	veq.s32 v2, v57  }
0x141: {  	v3 =	vadd.s32 v58, v3;
	v5 =	vsel vm0, $0x1, v1;
	vm0 =	veq.s32 v2, v59  }
0x142: {  	v3 =	vadd.s32 v5, v3;
	v62 =	vsel vm0, $0x1, v1;
	vm0 =	veq.s32 v2, v60  }
0x143: {  	v3 =	vadd.s32 v62, v3;
	v4 =	vsel vm0, $0x1, v1;
	vm0 =	veq.s32 v2, v61  }
0x144: {  	v3 =	vadd.s32 v4, v3;
	v63 =	vsel vm0, $0x1, v1  }
0x145: {  	v3 =	vadd.s32 v63, v3  }
0x146: {  	v3 =	vshll.u32 v3, $0x7  }
0x147: {  	v2 =	vsub.s32 v3, v2  }
0x148: {  	v2 =	vadd.s32 $0x8000007F, v2  }
0x149: {  	(xrf0) =	vmax.scan.msk.u32 $0xffff, v2;
	_ =	sdelay $0x5  }
0x14a: {  	v2, _, _ =	vpop (xrf0)  }
0x14b: {  	(v2sf) =	vpush v2, $0xF;
	_ =	sdelay $0xe  }
0x14c: {  	s0 =	spop (v2sf)  }
0x14d: {  	s0 =	sxor.u32 $0x80000000, s0  }
0x14e: {  	s20 =	sshra.s32 s0, $0x1F  }
0x14f: {  	p0 =	sne.s32 s19, $0x20;
	s20 =	sshrl.u32 s20, $0x19  }
.Ltmp3:
0x150: {  	s31 =	sld [smem:$0x7FD];
	s20 =	sadd.s32 s20, s0;
	(pc) =	sbr.rel @p0 .LBB2_2-.Ltmp3, $4  }
0x151: {  	s20 =	sand.u32 $0xFFFFFF80, s20  }
0x152: {  	s0 =	ssub.s32 s20, s0  }
0x153: {  	p1 =	seq.s32 s31, $0x1;
	s0 =	sadd.s32 $0x7F, s0  }
0x154: {  	p1 =	por !p1, !p1;
	[smem:s18] =	sst s0;
	s18 =	smov.u32 s19  }
0x155: {  	s0 =	sld [smem:$0x0]  }
0x156: {  	s18 =	sld [smem:$0x1]  }
0x157: {  	s19 =	sld [smem:$0x2]  }
0x158: {  	s20 =	sld [smem:$0x3]  }
0x159: {  	s21 =	sld [smem:$0x4]  }
0x15a: {  	s22 =	sld [smem:$0x5]  }
0x15b: {  	s23 =	sld [smem:$0x6]  }
0x15c: {  	s24 =	sld [smem:$0x7]  }
0x15d: {  	s25 =	sld [smem:$0x8]  }
0x15e: {  	s26 =	sld [smem:$0x9]  }
0x15f: {  	s28 =	sld [smem:$0xA]  }
0x160: {  	s29 =	sld [smem:$0xB]  }
0x161: {  	s30 =	sld [smem:$0xC]  }
0x162: {  	s31 =	sld [smem:$0xD]  }
0x163: {  	s1 =	sld [smem:$0xE]  }
0x164: {  	s12 =	sld [smem:$0xF]  }
0x165: {  	s13 =	sld [smem:$0x1F]  }
0x166: {  	s16 =	sld [smem:$0x10]  }
0x167: {  	vm0 =	vcmask $0x300;
	v2 =	vmov s12;
	s12 =	sld [smem:$0x11]  }
0x168: {  	v3 =	vmov s13;
	s13 =	sld [smem:$0x12];
	v2 =	vsel vm0, s0, v2  }
0x169: {  	v3 =	vsel vm0, s16, v3;
	v2 =	vsel vm1, s18, v2;
	s18 =	sld [smem:$0x13]  }
0x16a: {  	v2 =	vsel vm2, s19, v2;
	s19 =	sld [smem:$0x14];
	v3 =	vsel vm1, s12, v3  }
0x16b: {  	v2 =	vsel vm3, s20, v2;
	s20 =	sld [smem:$0x15];
	v3 =	vsel vm2, s13, v3  }
0x16c: {  	v2 =	vsel vm4, s21, v2;
	s21 =	sld [smem:$0x16];
	v3 =	vsel vm3, s18, v3  }
0x16d: {  	v2 =	vsel vm5, s22, v2;
	s22 =	sld [smem:$0x17];
	v3 =	vsel vm4, s19, v3  }
0x16e: {  	v2 =	vsel vm6, s23, v2;
	s23 =	sld [smem:$0x18];
	v3 =	vsel vm5, s20, v3  }
0x16f: {  	v2 =	vsel vm7, s24, v2;
	s24 =	sld [smem:$0x19];
	v3 =	vsel vm6, s21, v3  }
0x170: {  	v2 =	vsel vm8, s25, v2;
	s25 =	sld [smem:$0x1A];
	v3 =	vsel vm7, s22, v3  }
0x171: {  	v2 =	vsel vm9, s26, v2;
	s26 =	sld [smem:$0x1B];
	v3 =	vsel vm8, s23, v3  }
0x172: {  	v2 =	vsel vm10, s28, v2;
	s28 =	sld [smem:$0x1C];
	v3 =	vsel vm9, s24, v3  }
0x173: {  	v2 =	vsel vm11, s29, v2;
	s29 =	sld [smem:$0x1D];
	v3 =	vsel vm10, s25, v3  }
0x174: {  	v2 =	vsel vm12, s30, v2;
	s30 =	sld [smem:$0x1E];
	v3 =	vsel vm11, s26, v3  }
0x175: {  	v2 =	vsel vm13, s31, v2;
	v3 =	vsel vm12, s28, v3  }
0x176: {  	s17 =	sadd.s32 $0x1, s17;
	v2 =	vsel vm14, s1, v2;
	v3 =	vsel vm13, s29, v3  }
0x177: {  	p0 =	sne.s32 s17, s9;
	[tilespmem:$0x19800] =	vst v2;
	v2 =	vsel vm14, s30, v3  }
.Ltmp4:
0x178: {  	s31 =	simm.s32 $0x19800;
	[tilespmem:$0x19810] =	vst v2;
	(pc) =	sbr.rel @p0 .LBB2_1-.Ltmp4, $4  }
0x179: {  	[hbm4b:s8+s2] =	stream.linear.scatter [tilespmem:s31], [sflag:$0x4], $0x20, $0x38;
	[tilespmem:$0x19880] =	vst v63  }
0x17a: {  	_ =	swait.ge [sflag:s11], $0x20  }
0x17b: {  	[sflag:s11] =	ssyncset.done $0x0  }
0x17c: {  	[sflag:s11] =	ssyncadd.s32 $0xFFFFFFE0  }
0x17d: {  	_ =	sfence.sel $0x180000  }
0x17e: {  	[bflag:$0x0] =	sbarrier.arrive $0xFFFF  }
0x17f: {  	_ =	strace $0x9000004A  }
0x180: {  	s0 =	stileid.u32;
	[bflag:$0x2] =	sbarrier.arrive $0xFFFF  }
0x181: {  	p0 =	sne.s32 s0, $0x0;
	s0 =	rddreg [dreg:$0x2]  }
0x182: {  	s0 =	sadd.s32 @!p0 $0x100000, s0  }
0x183: {  	[sflag:s0] =	ssyncadd.tile.s32 @!p0 $0x1;
	_ =	shalt  }
.Lfunc_end2:
_tile_overlayer_lowered:
.L_overlay_start_2:
0x184: {  	(tag) =	ssettag $0x2  }
0x185: {  	s0 =	rddreg [dreg:$0x0];
	s2 =	stileid.u32  }
0x186: {  	s1 =	rddreg [dreg:$0x1];
	p0 =	sne.s32 s2, $0x0  }
0x187: {  	s3 =	rddreg [dreg:$0x2];
	[bflag:$0x3] =	sbarrier.arrive $0xFFFF;
	s2 =	simm.s32 @!p0 $0x1C04  }
0x188: {  	[timem:s3], [sflag:s2] =	dma.local @!p0 [hbm:s0], s1  }
0x189: {  	s0 =	simm.s32 @!p0 $0x4  }
0x18a: {  	_ =	swait.ge @!p0 [sflag:s0], s1  }
0x18b: {  	s1 =	ssub.s32 @!p0 $0x0, s1;
	[sflag:s0] =	ssyncset.done @!p0 $0x0  }
0x18c: {  	[sflag:s0] =	ssyncadd.s32 @!p0 s1  }
0x18d: {  	[bflag:$0x3] =	sbarrier.arrive $0xFFFF  }
0x18e: {  	_ =	shalt  }

// kernel: sparse-core-data-format-call.cloned.1.call-start
scs
called_computation_lowered:
.L_overlay_start_0:
0x0: {  	s1 =	sld [smem:$0x3FD9]  }
0x1: {  	s2 =	sld [smem:$0x3FFE];
	_ =	sdelay $0x1  }
0x2: {  	s3 =	srdreg.scid  }
0x3: {  	s0 =	sand.u32 $0x1, s3  }
0x4: {  	s17 =	sshll.u32 s0, $0xA;
	s1 =	sadd.s32 s2, s1  }
0x5: {  	s1 =	sadd.s32 s1, s17  }
0x6: {  	[smem:$0x3FC5] =	sst s1  }
0x7: {  	_ = 	snop  }
0x8: {  	(tm) =	ssettm $0x1  }
0x9: {  	s18 =	sld [smem:$0x3FFB];
	_ =	sdelay $0x3  }
0xa: {  	_ =	strace s18  }
0xb: {  	s1 =	sld [smem:$0x3FFC];
	_ =	sdelay $0x3  }
0xc: {  	_ =	strace s1  }
0xd: {  	s1 =	sld [smem:$0x3FFD];
	_ =	sdelay $0x3  }
0xe: {  	_ =	strace s1  }
0xf: {  	_ =	strace $0x8FFFFFFF  }
0x10: {  	s19 =	sld [smem:$0x3FDB];
	_ =	sdelay $0x1  }
0x11: {  	s20 =	simm.s32 $_scs_section_size  }
0x12: {  	s4 =	simm.s32 $_size__tile_overlayer_lowered;
	s5 =	simm.s32 $_tile_overlayer_lowered  }
0x13: {  	s23 =	simm.s32 $0x1BFF;
	s22 =	sshll.u32 s5, $0x1;
	s1 =	sadd.s32 s20, s19  }
0x14: {  	s6 =	simm.s32 $0x0;
	s21 =	sshll.u32 s4, $0x1;
	s4 =	sadd.s32 s22, s1  }
0x15: {  	[timem:s6], [sflag:s23] =	dma.local [hbm:s4], s21  }
0x16: {  	_ =	swait.ge [sflag:s23], s21  }
0x17: {  	s2 =	ssub.s32 $0x0, s21;
	[sflag:s23] =	ssyncset.done $0x0  }
0x18: {  	[sflag:s23] =	ssyncadd.s32 s2;
	_ =	sdelay $0x1  }
0x19: {  	s24 =	simm.s32 $0x1B8B  }
0x1a: {  	_ =	swait.ge [sflag:s24], $0x1  }
0x1b: {  	[sflag:s24] =	ssyncset.done $0x0  }
0x1c: {  	s26 =	simm.s32 $0x1B8E;
	s25 =	sld [smem:$0x3FFE];
	[sflag:s24] =	ssyncadd.s32 $0xFFFFFFFF  }
0x1d: {  	s27 =	simm.s32 $execute0_lowered;
	[smem:$0x3FD2] =	sst s26  }
0x1e: {  	s4 =	sshll.u32 s27, $0x1;
	_ =	strace $0x80000046;
	[dreg:$0x1] =	wrdreg $0xFFFFFFFF  }
0x1f: {  	s28 =	simm.s32 $_size_execute0_lowered;
	s1 =	sadd.s32 s1, s4;
	[dreg:$0x0] =	wrdreg $0x0  }
0x20: {  	s4 =	sshll.u32 s28, $0x1;
	[dreg:$0x2] =	wrdreg s1  }
0x21: {  	[dreg:$0x3] =	wrdreg s4  }
0x22: {  	[dreg:$0x4] =	wrdreg $0xC0  }
0x23: {  	_ =	task [dreg:s6], $0x5FFFF  }
0x24: {  	[dreg:$0x1] =	wrdreg $0xFFFFFFFF  }
0x25: {  	[dreg:$0x0] =	wrdreg $0x60  }
0x26: {  	[dreg:$0x2] =	wrdreg s25  }
0x27: {  	[dreg:$0x3] =	wrdreg $0x9  }
0x28: {  	_ =	task.clear_ibuf [dreg:s6], $0x4FFFF;
	_ =	strace $0x90000046  }
0x29: {  	s29 =	simm.s32 $0x9;
	_ =	strace $0x80000048  }
0x2a: {  	_ =	swait.ge [sflag:s29], $0x1  }
0x2b: {  	[sflag:s29] =	ssyncadd.s32 $0xFFFFFFFF  }
0x2c: {  	_ =	strace $0x90000048  }
0x2d: {  	_ =	sfence  }
0x2e: {  	s30 =	sld [smem:$0x0];
	_ =	sdelay $0x2  }
0x2f: {  	s31 =	sshll.u32 s3, $0xD;
	s3 =	sshrl.u32 s3, $0x2  }
0x30: {  	s2 =	sand.u32 $0x4000, s31;
	s1 =	sadd.s32 s3, s30  }
0x31: {  	s0 =	sor.u32 s2, s0;
	s1 =	sshll.u32 s1, $0x11  }
0x32: {  	s0 =	sor.u32 s1, s0  }
0x33: {  	s0 =	sadd.s32 $0x8F2B, s0  }
0x34: {  	[sflag:s0] =	ssyncadd.remote.s32 $0x1  }
0x35: {  	_ =	sfence.sel $0xFFFF  }
0x36: {  	[dreg:$0x0] =	wrdreg $0xFFFFFFFF;
	(pc) =	sbr.abs _section_cstart, $3  }
0x37: {  	[dreg:$0x1] =	wrdreg $0xFFFFFFFF  }
0x38: {  	_ =	task.clear_ibuf [dreg:s6], $0x2FFFF;
	_ =	strace $0x9FFFFFFF  }
0x39: {  	(tm) =	ssettm $0x7FFFFFFF  }
tec
execute0_lowered:
.L_overlay_start_1:
0x0: {  	(tag) =	ssettag $0x1  }
0x1: {  	s1 =	rddreg [dreg:$0x0]  }
0x2: {  	s0 =	rddreg [dreg:$0x1]  }
0x3: {  	_ =	strace $0x80000047;
	s4 =	srdreg.scid;
	s6 =	simm.s32 $0x2  }
0x4: {  	s11 =	simm.s32 $0x0;
	p0 =	por $0x0, $0x0;
	s7 =	simm.s32 $0x18800  }
.Ltmp0:
0x5: {  	s12 =	simm.s32 $0x0;
	s9 =	simm.s32 $0x0;
	(pc) =	sbr.rel .LBB1_1-.Ltmp0, $4  }
0x6: {  	s2 =	sadd.s32 $0x30F600, s1;
	s3 =	sadd.s32 $0xF4F600, s1;
	s5 =	sshll.u32 s4, $0x4  }
0x7: {  	s1 =	stileid.u32;
	s4 =	simm.s32 $0x1;
	s5 =	sand.u32 $0x10, s5  }
0x8: {  	s8 =	simm.s32 $0x0;
	[sflag:s4] =	ssyncpa.u1 $0x0;
	s5 =	sor.u32 s1, s5  }
0x9: {  	[sflag:s6] =	ssyncpa.u1 $0x0;
	s6 =	simm.s32 $0x800;
	s10 =	smov.u32 s5  }
.LBB1_7:
0xa: {  	s13 =	sadd.s32 $0x10, s9  }
0xb: {  	s11 =	sadd.s32 $0x20, s10;
	s15 =	smov.u32 s10;
	p2 =	sgt.s32 s13, $0x30F  }
0xc: {  	p1 =	slt.u32 s8, $0x2;
	s15 =	smov.u32 @p2 s11  }
0xd: {  	s8 =	sadd.s32 $0x1, s8;
	s13 =	simm.s32 @p2 $0x0;
	p2 =	sgt.s32 s15, $0x7F  }
0xe: {  	s15 =	smov.u32 @p2 s5;
	p2 =	sne.s32 s8, $0xC6  }
.Ltmp1:
0xf: {  	_ = 	snop;
	(pc) =	sbr.rel @!p2 .LBB1_8-.Ltmp1, $4  }
0x10: {  	s14 =	simm.s32 @!p1 $0x2  }
0x11: {  	s12 =	smov.u32 s10;
	_ =	swait.ge @!p1 [sflag:s14], $0x4000  }
0x12: {  	p0 =	por !p0, !p0;
	s11 =	smov.u32 s9;
	[sflag:s14] =	ssyncset.done @!p1 $0x0  }
0x13: {  	s9 =	smov.u32 s13;
	[sflag:s14] =	ssyncadd.s32 @!p1 $0xFFFFC000;
	s10 =	smov.u32 s15  }
.LBB1_1:
0x14: {  	p1 =	sgt.u32 s8, $0xC3  }
0x15: {  	s13 =	smul.u32 @!p1 $0x18800, s10  }
0x16: {  	s14 =	sxor.u32 @!p1 $0xFFFFFFFF, s8  }
0x17: {  	s15 =	sshll.u32 @!p1 s9, $0x7;
	s14 =	sshll.u32 @!p1 s14, $0xE;
	s13 =	sadd.s32 @!p1 s2, s13  }
0x18: {  	s14 =	sand.u32 @!p1 $0x4000, s14;
	s13 =	sadd.s32 @!p1 s15, s13;
	s15 =	simm.s32 @!p1 $0x0  }
0x19: {  	[tilespmem:s14], [sflag:$0x1] =	stream.linear.gather @!p1 [hbm4b:s13+s15], $0x4000, $0x38;
	[tilespmem:$0x10000] =	vst v63  }
0x1a: {  	p1 =	seq.s32 s8, $0x0  }
0x1b: {  	p2 =	seq.s32 @!p1 s8, $0xC5  }
0x1c: {  	p1 =	por p1, p2  }
.Ltmp2:
0x1d: {  	_ = 	snop;
	(pc) =	sbr.rel @p1 .LBB1_7-.Ltmp2, $1  }
0x1e: {  	_ =	sdelay $0x3  }
0x1f: {  	s13 =	simm.s32 $0x1;
	_ =	swait.ge [sflag:s4], $0x4000;
	s16 =	sshll.u32 s8, $0xE  }
0x20: {  	s13 =	simm.s32 @!p0 $0x0;
	[sflag:s4] =	ssyncset.done $0x0;
	s31 =	sand.u32 $0x4000, s16  }
0x21: {  	s16 =	simm.s32 $0x0;
	s13 =	sshll.u32 s13, $0xE;
	[sflag:s4] =	ssyncadd.s32 $0xFFFFC000  }
0x22: {  	s14 =	sor.u32 $0x8040, s13;
	s15 =	sor.u32 $0x40, s13;
	s13 =	sor.u32 $0x8000, s31  }
.LBB1_3:
0x23: {  	v0 =	vmov s15;
	_ =	sdelay $0x3  }
0x24: {  	s18 =	simm.s32 $0x0  }
0x25: {  	v6 =	vld.idx.msk [tilespmem:v0+s18+$0x30 ss:$0x1], $0xffff  }
0x26: {  	v7 =	vld.idx.msk [tilespmem:v0+s18+$0xFFFFFFC0 ss:$0x1], $0xffff  }
0x27: {  	v5 =	vld.idx.msk [tilespmem:v0+s18+$0xFFFFFFD0 ss:$0x1], $0xffff  }
0x28: {  	v4 =	vld.idx.msk [tilespmem:v0+s18+$0xFFFFFFE0 ss:$0x1], $0xffff  }
0x29: {  	v3 =	vld.idx.msk [tilespmem:v0+s18+$0xFFFFFFF0 ss:$0x1], $0xffff  }
0x2a: {  	v1 =	vld.idx.msk [tilespmem:v0+s18+$0x0 ss:$0x1], $0xffff  }
0x2b: {  	v2 =	vld.idx.msk [tilespmem:v0+s18+$0x10 ss:$0x1], $0xffff;
	[tilespmem:s14+$0x30] =	vst v6  }
0x2c: {  	s17 =	simm.s32 $0x80;
	s19 =	simm.s32 $0x400;
	[tilespmem:s14+$0xFFFFFFC0] =	vst v7;
	v6 =	vld.idx.msk [tilespmem:v0+s18+$0x20 ss:$0x1], $0xffff;
	s18 =	smov.u32 s14  }
.LBB1_4:
0x2d: {  	p1 =	sne.s32 s19, $0xE00;
	v7 =	vld.idx.msk [tilespmem:v0+s17+$0x30 ss:$0x1], $0xffff;
	[tilespmem:s18+$0xFFFFFFD0] =	vst v5  }
0x2e: {  	v8 =	vld.idx.msk [tilespmem:v0+s17+$0xFFFFFFC0 ss:$0x1], $0xffff;
	[tilespmem:s18+$0xFFFFFFE0] =	vst v4  }
0x2f: {  	v5 =	vld.idx.msk [tilespmem:v0+s17+$0xFFFFFFD0 ss:$0x1], $0xffff;
	[tilespmem:s18+$0xFFFFFFF0] =	vst v3  }
.Ltmp3:
0x30: {  	v4 =	vld.idx.msk [tilespmem:v0+s17+$0xFFFFFFE0 ss:$0x1], $0xffff;
	[tilespmem:s18+$0x0] =	vst v1;
	(pc) =	sbr.rel @p1 .LBB1_4-.Ltmp3, $4  }
0x31: {  	v3 =	vld.idx.msk [tilespmem:v0+s17+$0xFFFFFFF0 ss:$0x1], $0xffff;
	[tilespmem:s18+$0x10] =	vst v2  }
0x32: {  	v1 =	vld.idx.msk [tilespmem:v0+s17+$0x0 ss:$0x1], $0xffff;
	[tilespmem:s18+$0x20] =	vst v6;
	s18 =	sadd.s32 $0x800, s18  }
0x33: {  	v2 =	vld.idx.msk [tilespmem:v0+s17+$0x10 ss:$0x1], $0xffff;
	[tilespmem:s18+$0x30] =	vst v7  }
0x34: {  	[tilespmem:s18+$0xFFFFFFC0] =	vst v8;
	v6 =	vld.idx.msk [tilespmem:v0+s17+$0x20 ss:$0x1], $0xffff;
	s17 =	sshra.s32 s19, $0x2;
	s19 =	sadd.s32 $0x200, s19  }
0x35: {  	_ =	sdelay $0x2  }
0x36: {  	[tilespmem:s18+$0xFFFFFFD0] =	vst v5  }
0x37: {  	v56 =	vld.idx.msk [tilespmem:v0+s17+$0x30 ss:$0x1], $0xffff;
	[tilespmem:s18+$0xFFFFFFE0] =	vst v4  }
0x38: {  	v57 =	vld.idx.msk [tilespmem:v0+s17+$0xFFFFFFC0 ss:$0x1], $0xffff;
	[tilespmem:s18+$0xFFFFFFF0] =	vst v3  }
0x39: {  	v58 =	vld.idx.msk [tilespmem:v0+s17+$0xFFFFFFD0 ss:$0x1], $0xffff;
	[tilespmem:s18+$0x0] =	vst v1  }
0x3a: {  	v59 =	vld.idx.msk [tilespmem:v0+s17+$0xFFFFFFE0 ss:$0x1], $0xffff;
	[tilespmem:s18+$0x10] =	vst v2  }
0x3b: {  	v60 =	vld.idx.msk [tilespmem:v0+s17+$0xFFFFFFF0 ss:$0x1], $0xffff;
	s31 =	sadd.s32 $0x800, s18;
	[tilespmem:s18+$0x20] =	vst v6  }
0x3c: {  	v61 =	vld.idx.msk [tilespmem:v0+s17+$0x0 ss:$0x1], $0xffff;
	[tilespmem:s31+$0x30] =	vst v56  }
0x3d: {  	v62 =	vld.idx.msk [tilespmem:v0+s17+$0x10 ss:$0x1], $0xffff;
	s16 =	sadd.s32 $0x1, s16;
	[tilespmem:s31+$0xFFFFFFC0] =	vst v57  }
0x3e: {  	v63 =	vld.idx.msk [tilespmem:v0+s17+$0x20 ss:$0x1], $0xffff;
	p1 =	sne.s32 s16, $0x10;
	[tilespmem:s31+$0xFFFFFFD0] =	vst v58  }
.Ltmp4:
0x3f: {  	[tilespmem:s31+$0xFFFFFFE0] =	vst v59;
	(pc) =	sbr.rel @p1 .LBB1_3-.Ltmp4, $4  }
0x40: {  	[tilespmem:s31+$0xFFFFFFF0] =	vst v60  }
0x41: {  	[tilespmem:s31+$0x0] =	vst v61  }
0x42: {  	[tilespmem:s31+$0x10] =	vst v62  }
0x43: {  	s14 =	sadd.s32 $0x80, s14;
	s15 =	sadd.s32 $0x400, s15;
	[tilespmem:s31+$0x20] =	vst v63  }
0x44: {  	s11 =	sand.u32 $0x1FFFFFF, s11  }
0x45: {  	s14 =	smulhi.u32 $0x14E5E0B, s11;
	_ =	sdelay $0x1  }
0x46: {  	s12 =	smul.u32 $0x18800, s12;
	s14 =	sshrl.u32 s14, $0x2  }
0x47: {  	s14 =	smul.u32 $0x310, s14  }
.Ltmp5:
0x48: {  	_ = 	snop;
	(pc) =	sbr.rel .LBB1_7-.Ltmp5, $4  }
0x49: {  	s11 =	ssub.s32 s11, s14  }
0x4a: {  	s12 =	sadd.s32 s3, s12;
	s11 =	sshll.u32 s11, $0x4  }
0x4b: {  	s11 =	sadd.s32 s11, s12  }
0x4c: {  	[hbm4b:s11+s6] =	stream.strided.scatter [tilespmem:s13], [sflag:$0x2], $0x4000, s7, s6, $0x38;
	[tilespmem:$0x10000] =	vst v63  }
.LBB1_8:
0x4d: {  	_ =	sfence.sel $0x180000  }
0x4e: {  	s2 =	simm.s32 $0x1;
	[bflag:$0x0] =	sbarrier.arrive $0xFFFF  }
0x4f: {  	s31 =	simm.s32 $0x2;
	[sflag:s2] =	ssyncpa.u1 $0x1  }
0x50: {  	[sflag:s31] =	ssyncpa.u1 $0x1  }
0x51: {  	p0 =	sne.s32 s1, $0x0;
	_ =	strace $0x90000047  }
0x52: {  	s0 =	sadd.s32 @!p0 $0x100000, s0;
	[bflag:$0x2] =	sbarrier.arrive $0xFFFF  }
0x53: {  	[sflag:s0] =	ssyncadd.tile.s32 @!p0 $0x1;
	_ =	shalt  }
.Lfunc_end1:
_tile_overlayer_lowered:
.L_overlay_start_2:
0x54: {  	(tag) =	ssettag $0x2  }
0x55: {  	s0 =	rddreg [dreg:$0x0];
	s2 =	stileid.u32  }
0x56: {  	s1 =	rddreg [dreg:$0x1];
	p0 =	sne.s32 s2, $0x0  }
0x57: {  	s3 =	rddreg [dreg:$0x2];
	[bflag:$0x3] =	sbarrier.arrive $0xFFFF;
	s2 =	simm.s32 @!p0 $0x1C01  }
0x58: {  	[timem:s3], [sflag:s2] =	dma.local @!p0 [hbm:s0], s1  }
0x59: {  	s0 =	simm.s32 @!p0 $0x1  }
0x5a: {  	_ =	swait.ge @!p0 [sflag:s0], s1  }
0x5b: {  	s1 =	ssub.s32 @!p0 $0x0, s1;
	[sflag:s0] =	ssyncset.done @!p0 $0x0  }
0x5c: {  	[sflag:s0] =	ssyncadd.s32 @!p0 s1  }
0x5d: {  	[bflag:$0x3] =	sbarrier.arrive $0xFFFF  }
0x5e: {  	_ =	shalt  }

</sc_bundles>
